<compile_context>
chip_gen: v7x
topology: tpu7x:2x2x1
jax: 0.10.2.dev20260603
libtpu: 0.0.44.dev20260713+nightly
codegen_flags: <defaults>
</compile_context>

<pallas_src>
import functools

import jax
import jax.numpy as jnp
from jax import lax
from jax.experimental import pallas as pl
from jax.experimental.pallas import tpu as pltpu
from jax.experimental.pallas import tpu_sc as plsc

N_ROWS = 1_000_000
D = 32
F = 26
BATCH = 16384
B = BATCH * F
NC, NS = 2, 16
NW = NC * NS
UR = 512
UNITS = B // UR
UPW = UNITS // NW
BPW = UPW * UR

_mesh = plsc.VectorSubcoreMesh(core_axis_name="c", subcore_axis_name="s")


@functools.partial(
    pl.kernel,
    mesh=_mesh,
    out_type=jax.ShapeDtypeStruct((F, D // 8, BATCH // 128, 8, 128),
                                  jnp.float32),
    scratch_types=[
        pltpu.VMEM((BPW,), jnp.int32),
        pltpu.VMEM((2, UR, D), jnp.float32),
        pltpu.VMEM((2, 4, 4, 8, 131), jnp.float32),
        pltpu.SemaphoreType.DMA,
        pltpu.SemaphoreType.DMA,
        pltpu.SemaphoreType.DMA,
        pltpu.SemaphoreType.DMA,
    ],
    compiler_params=pltpu.CompilerParams(
        use_tc_tiling_on_sc=False, needs_layout_passes=False),
)
def _gather_kernel(table_hbm, idx_hbm, out_hbm, idx_v, rows_v, tiles_v,
                   gsem0, gsem1, wsem0, wsem1):
    wid = lax.axis_index("s") * NC + lax.axis_index("c")
    base = wid * BPW
    pltpu.sync_copy(idx_hbm.at[pl.ds(base, BPW)], idx_v)

    gsems = (gsem0, gsem1)
    wsems = (wsem0, wsem1)
    lane = lax.iota(jnp.int32, 16)
    gvecs = [g * 16 + lane for g in range(8)]
    g0 = wid * UPW

    def start_gather(t, par):
        pltpu.async_copy(
            table_hbm.at[idx_v.at[pl.ds(t * UR, UR)]],
            rows_v.at[par], gsems[par])

    def wait_gather(par):
        pltpu.make_async_copy(
            table_hbm.at[pl.ds(0, UR)], rows_v.at[par], gsems[par]).wait()

    def drain_writes(par):
        for fb in range(4):
            pltpu.make_async_copy(
                tiles_v.at[par, :, fb, :, pl.ds(0, 128)],
                out_hbm.at[0, 0, pl.ds(0, 4)], wsems[par]).wait()

    frvec = lax.rem(lane, 8)
    fbhalf = lane // 8

    def transpose_unit(par):
        rows = rows_v.at[par]
        tiles = tiles_v.at[par]
        fbvecs = [fbhalf + 2 * g for g in range(2)]

        def body(r4, carry):
            r0 = r4 * 4
            bblvec = jnp.full((16,), r0 // 128, jnp.int32)
            bc0vec = jnp.full((16,), lax.rem(r0, 128), jnp.int32)
            for dr in range(4):
                r = r0 + dr
                bcvec = bc0vec + dr if dr else bc0vec
                for g in range(2):
                    val = rows[r, pl.ds(g * 16, 16)]
                    plsc.store_scatter(
                        tiles, [bblvec, fbvecs[g], frvec, bcvec], val)
            return carry

        lax.fori_loop(0, UR // 4, body, 0)

    start_gather(0, 0)
    start_gather(1, 1)

    def unit_pair(tt, carry):
        for par in range(2):
            t = tt * 2 + par
            wait_gather(par)

            @pl.when(tt > 0)
            def _():
                drain_writes(par)

            transpose_unit(par)

            @pl.when(t + 2 < UPW)
            def _():
                start_gather(t + 2, par)

            gu = g0 + t
            j = gu // 32
            bbq = lax.rem(gu, 32)
            for fb in range(4):
                pltpu.async_copy(
                    tiles_v.at[par, :, fb, :, pl.ds(0, 128)],
                    out_hbm.at[j, fb, pl.ds(bbq * 4, 4)],
                    wsems[par])
        return carry

    lax.fori_loop(0, UPW // 2, unit_pair, 0)
    for par in range(2):
        drain_writes(par)


def kernel(x, weights):
    idx_fm = x.T.reshape(-1).astype(jnp.int32)
    out5 = _gather_kernel(weights, idx_fm)
    out = out5.transpose(2, 4, 0, 1, 3).reshape(BATCH, F, D)
    return out

# --- scband reference (transcript-rebuilt; emitter-appended) ---
"""Pipeline reference for scband-my-embedding-33311766348075 (READ-ONLY COPY).

The authoritative reference and input builder live on the scoring server;
editing this copy changes nothing except your own understanding.
"""

import jax, jax.numpy as jnp
import numpy as np

N_EMBEDS = 1000000
EMBED_DIM = 32
BATCH = 16384
FIELDS = 26

def setup_inputs(seed: int = 0) -> dict:
    key = jax.random.key(seed)
    k_idx, k_w = jax.random.split(key)
    x = jax.random.randint(k_idx, (BATCH, FIELDS), 0, N_EMBEDS, dtype=jnp.int64 if jax.config.jax_enable_x64 else jnp.int32)
    weights = jax.random.normal(k_w, (N_EMBEDS, EMBED_DIM), dtype=jnp.float32)
    return {"x": x, "weights": weights}

def reference(x, weights):
    # Faithful translation of: return self.weights[x]
    return jnp.take(weights, x, axis=0)

if __name__ == "__main__":
    import jax
    _d = setup_inputs()
    print(jax.jit(kernel)(*tuple(_d.values())))

</pallas_src>

<mosaic_0001>
#map = affine_map<(d0, d1) -> (0, 0)>
#map1 = affine_map<(d0, d1) -> (0)>
#map2 = affine_map<(d0, d1) -> (0, 0, 0, 0, 0)>
module attributes {stable_mosaic.version = 14 : i64} {
  func.func @_gather_kernel(%arg0: i32, %arg1: i32, %arg2: memref<1000000x32xf32, #tpu.memory_space<hbm>>, %arg3: memref<425984xi32, #tpu.memory_space<hbm>>, %arg4: memref<26x4x128x8x128xf32, #tpu.memory_space<hbm>>, %arg5: memref<13312xi32, #tpu.memory_space<vmem>>, %arg6: memref<2x512x32xf32, #tpu.memory_space<vmem>>, %arg7: memref<2x4x4x8x131xf32, #tpu.memory_space<vmem>>, %arg8: memref<!tpu.dma_semaphore, #tpu.memory_space<semaphore_mem>>, %arg9: memref<!tpu.dma_semaphore, #tpu.memory_space<semaphore_mem>>, %arg10: memref<!tpu.dma_semaphore, #tpu.memory_space<semaphore_mem>>, %arg11: memref<!tpu.dma_semaphore, #tpu.memory_space<semaphore_mem>>) attributes {dimension_semantics = [#tpu.dimension_semantics<core_parallel>, #tpu.dimension_semantics<subcore_parallel>], iteration_bounds = array<i64: 2, 16>, scalar_prefetch = 0 : i64, scratch_operands = 7 : i64, tpu.core_type = #tpu.core_type<sc_vector_subcore>, window_params = [{transform_indices = #map}, {transform_indices = #map1}, {transform_indices = #map2}]} {
    %mul3A = arith.constant 2 : i32
    %mul3A_0 = arith.muli %arg1, %mul3A : i32
    %add3A = arith.addi %mul3A_0, %arg0 : i32
    %mul3A_1 = arith.constant 13312 : i32
    %mul3A_2 = arith.muli %add3A, %mul3A_1 : i32
    "tpu.region"() ({
      %run_scoped3A = tpu.sem_alloc : memref<!tpu.dma_semaphore, #tpu.memory_space<semaphore_mem>>
      %dma_start3A_270 = tpu.memref_slice %arg3[%mul3A_2] : memref<425984xi32, #tpu.memory_space<hbm>> -> memref<13312xi32, #tpu.memory_space<hbm>>
      %dma_start3A_271 = tpu.memref_slice %arg3[%mul3A_2] : memref<425984xi32, #tpu.memory_space<hbm>> -> memref<13312xi32, #tpu.memory_space<hbm>>
      tpu.enqueue_dma source(%dma_start3A_271 : memref<13312xi32, #tpu.memory_space<hbm>>) target(%arg5 : memref<13312xi32, #tpu.memory_space<vmem>>) target_semaphore(%run_scoped3A : memref<!tpu.dma_semaphore, #tpu.memory_space<semaphore_mem>>)
      %dma_wait3A_272 = tpu.memref_slice %arg3[%mul3A_2] : memref<425984xi32, #tpu.memory_space<hbm>> -> memref<13312xi32, #tpu.memory_space<hbm>>
      %dma_wait3A_273 = tpu.memref_slice %arg3[%mul3A_2] : memref<425984xi32, #tpu.memory_space<hbm>> -> memref<13312xi32, #tpu.memory_space<hbm>>
      tpu.wait_dma2 semaphore(%run_scoped3A : memref<!tpu.dma_semaphore, #tpu.memory_space<semaphore_mem>>) src(%dma_wait3A_273 : memref<13312xi32, #tpu.memory_space<hbm>>) dst(%arg5 : memref<13312xi32, #tpu.memory_space<vmem>>)
      tpu.yield
    }) : () -> ()
    %iota3A = tpu.iota {dimensions = array<i32: 0>} : vector<16xi32>
    %add3A_3 = arith.constant 0 : i32
    %add3A_4 = vector.broadcast %add3A_3 : i32 to vector<16xi32>
    %add3A_5 = arith.addi %add3A_4, %iota3A : vector<16xi32>
    %add3A_6 = arith.constant 16 : i32
    %add3A_7 = vector.broadcast %add3A_6 : i32 to vector<16xi32>
    %add3A_8 = arith.addi %add3A_7, %iota3A : vector<16xi32>
    %add3A_9 = arith.constant 32 : i32
    %add3A_10 = vector.broadcast %add3A_9 : i32 to vector<16xi32>
    %add3A_11 = arith.addi %add3A_10, %iota3A : vector<16xi32>
    %add3A_12 = arith.constant 48 : i32
    %add3A_13 = vector.broadcast %add3A_12 : i32 to vector<16xi32>
    %add3A_14 = arith.addi %add3A_13, %iota3A : vector<16xi32>
    %add3A_15 = arith.constant 64 : i32
    %add3A_16 = vector.broadcast %add3A_15 : i32 to vector<16xi32>
    %add3A_17 = arith.addi %add3A_16, %iota3A : vector<16xi32>
    %add3A_18 = arith.constant 80 : i32
    %add3A_19 = vector.broadcast %add3A_18 : i32 to vector<16xi32>
    %add3A_20 = arith.addi %add3A_19, %iota3A : vector<16xi32>
    %add3A_21 = arith.constant 96 : i32
    %add3A_22 = vector.broadcast %add3A_21 : i32 to vector<16xi32>
    %add3A_23 = arith.addi %add3A_22, %iota3A : vector<16xi32>
    %add3A_24 = arith.constant 112 : i32
    %add3A_25 = vector.broadcast %add3A_24 : i32 to vector<16xi32>
    %add3A_26 = arith.addi %add3A_25, %iota3A : vector<16xi32>
    %mul3A_27 = arith.constant 26 : i32
    %mul3A_28 = arith.muli %add3A, %mul3A_27 : i32
    %rem3A = arith.constant 8 : i32
    %rem3A_29 = vector.broadcast %rem3A : i32 to vector<16xi32>
    %rem3A_30 = arith.remsi %iota3A, %rem3A_29 : vector<16xi32>
    %jit3A = arith.constant 8 : i32
    %div3A = vector.broadcast %jit3A : i32 to vector<16xi32>
    %div3A_31 = arith.divsi %iota3A, %div3A : vector<16xi32>
    %sign3A = arith.constant 0 : i32
    %sign3A_32 = vector.broadcast %sign3A : i32 to vector<16xi32>
    %sign3A_33 = arith.cmpi sgt, %iota3A, %sign3A_32 : vector<16xi32>
    %sign3A_34 = arith.extui %sign3A_33 : vector<16xi1> to vector<16xi32>
    %sign3A_35 = arith.constant 0 : i32
    %sign3A_36 = vector.broadcast %sign3A_35 : i32 to vector<16xi32>
    %sign3A_37 = arith.cmpi slt, %iota3A, %sign3A_36 : vector<16xi32>
    %sign3A_38 = arith.extui %sign3A_37 : vector<16xi1> to vector<16xi32>
    %sign3A_39 = arith.subi %sign3A_34, %sign3A_38 : vector<16xi32>
    %sign3A_40 = arith.constant 0 : i32
    %sign3A_41 = arith.cmpi sgt, %jit3A, %sign3A_40 : i32
    %sign3A_42 = arith.extui %sign3A_41 : i1 to i32
    %sign3A_43 = arith.constant 0 : i32
    %sign3A_44 = arith.cmpi slt, %jit3A, %sign3A_43 : i32
    %sign3A_45 = arith.extui %sign3A_44 : i1 to i32
    %sign3A_46 = arith.subi %sign3A_42, %sign3A_45 : i32
    %ne3A = vector.broadcast %sign3A_46 : i32 to vector<16xi32>
    %ne3A_47 = arith.cmpi ne, %sign3A_39, %ne3A : vector<16xi32>
    %rem3A_48 = vector.broadcast %jit3A : i32 to vector<16xi32>
    %rem3A_49 = arith.remsi %iota3A, %rem3A_48 : vector<16xi32>
    %ne3A_50 = arith.constant 0 : i32
    %ne3A_51 = vector.broadcast %ne3A_50 : i32 to vector<16xi32>
    %ne3A_52 = arith.cmpi ne, %rem3A_49, %ne3A_51 : vector<16xi32>
    %and3A = arith.andi %ne3A_47, %ne3A_52 : vector<16xi1>
    %sub3A = arith.constant 1 : i32
    %sub3A_53 = vector.broadcast %sub3A : i32 to vector<16xi32>
    %sub3A_54 = arith.subi %div3A_31, %sub3A_53 : vector<16xi32>
    %select_n3A = arith.select %and3A, %sub3A_54, %div3A_31 : vector<16xi1>, vector<16xi32>
    %dma_start3A = arith.constant 0 : i32
    %dma_start3A_55 = arith.constant 0 : i32
    %dma_start3A_56 = arith.constant 0 : i32
    %dma_start3A_57 = tpu.memref_slice %arg6[%dma_start3A, %dma_start3A_55, %dma_start3A_56] : memref<2x512x32xf32, #tpu.memory_space<vmem>> -> memref<1x512x32xf32, #tpu.memory_space<vmem>>
    %dma_start3A_58 = tpu.memref_squeeze %dma_start3A_57 : memref<1x512x32xf32, #tpu.memory_space<vmem>> -> memref<512x32xf32, #tpu.memory_space<vmem>>
    %dma_start3A_59 = arith.constant 0 : i32
    %dma_start3A_60 = tpu.memref_slice %arg5[%dma_start3A_59] : memref<13312xi32, #tpu.memory_space<vmem>> -> memref<512xi32, #tpu.memory_space<vmem>>
    %dma_start3A_61 = arith.constant 0 : i32
    %dma_start3A_62 = arith.constant 0 : i32
    %dma_start3A_63 = tpu.memref_slice %arg2[%dma_start3A_61, %dma_start3A_62] : memref<1000000x32xf32, #tpu.memory_space<hbm>> -> memref<1000000x32xf32, #tpu.memory_space<hbm>>
    tpu.enqueue_indirect_dma source(%dma_start3A_63 : memref<1000000x32xf32, #tpu.memory_space<hbm>>) target(%dma_start3A_58 : memref<512x32xf32, #tpu.memory_space<vmem>>) offsets(%dma_start3A_60 : memref<512xi32, #tpu.memory_space<vmem>>) semaphore(%arg8 : memref<!tpu.dma_semaphore, #tpu.memory_space<semaphore_mem>>)
    %dma_start3A_64 = arith.constant 1 : i32
    %dma_start3A_65 = arith.constant 0 : i32
    %dma_start3A_66 = arith.constant 0 : i32
    %dma_start3A_67 = tpu.memref_slice %arg6[%dma_start3A_64, %dma_start3A_65, %dma_start3A_66] : memref<2x512x32xf32, #tpu.memory_space<vmem>> -> memref<1x512x32xf32, #tpu.memory_space<vmem>>
    %dma_start3A_68 = tpu.memref_squeeze %dma_start3A_67 : memref<1x512x32xf32, #tpu.memory_space<vmem>> -> memref<512x32xf32, #tpu.memory_space<vmem>>
    %dma_start3A_69 = arith.constant 512 : i32
    %dma_start3A_70 = tpu.memref_slice %arg5[%dma_start3A_69] : memref<13312xi32, #tpu.memory_space<vmem>> -> memref<512xi32, #tpu.memory_space<vmem>>
    %dma_start3A_71 = arith.constant 0 : i32
    %dma_start3A_72 = arith.constant 0 : i32
    %dma_start3A_73 = tpu.memref_slice %arg2[%dma_start3A_71, %dma_start3A_72] : memref<1000000x32xf32, #tpu.memory_space<hbm>> -> memref<1000000x32xf32, #tpu.memory_space<hbm>>
    tpu.enqueue_indirect_dma source(%dma_start3A_73 : memref<1000000x32xf32, #tpu.memory_space<hbm>>) target(%dma_start3A_68 : memref<512x32xf32, #tpu.memory_space<vmem>>) offsets(%dma_start3A_70 : memref<512xi32, #tpu.memory_space<vmem>>) semaphore(%arg9 : memref<!tpu.dma_semaphore, #tpu.memory_space<semaphore_mem>>)
    %scan3A = arith.constant 0 : i32
    %scan3A_74 = arith.constant 0 : i32
    %scan3A_75 = arith.constant 13 : i32
    %scan3A_76 = arith.addi %scan3A_74, %scan3A_75 : i32
    %scan3A_77 = arith.constant 1 : i32
    scf.for %scan3A_270 = %scan3A_74 to %scan3A_76 step %scan3A_77  : i32 {
      %mul3A_271 = arith.constant 2 : i32
      %mul3A_272 = arith.muli %scan3A_270, %mul3A_271 : i32
      %add3A_273 = arith.constant 0 : i32
      %add3A_274 = arith.addi %mul3A_272, %add3A_273 : i32
      %dma_wait3A_275 = arith.constant 0 : i32
      %dma_wait3A_276 = arith.constant 0 : i32
      %dma_wait3A_277 = arith.constant 0 : i32
      %dma_wait3A_278 = tpu.memref_slice %arg6[%dma_wait3A_275, %dma_wait3A_276, %dma_wait3A_277] : memref<2x512x32xf32, #tpu.memory_space<vmem>> -> memref<1x512x32xf32, #tpu.memory_space<vmem>>
      %dma_wait3A_279 = tpu.memref_squeeze %dma_wait3A_278 : memref<1x512x32xf32, #tpu.memory_space<vmem>> -> memref<512x32xf32, #tpu.memory_space<vmem>>
      %dma_wait3A_280 = arith.constant 0 : i32
      %dma_wait3A_281 = arith.constant 0 : i32
      %dma_wait3A_282 = tpu.memref_slice %arg2[%dma_wait3A_280, %dma_wait3A_281] : memref<1000000x32xf32, #tpu.memory_space<hbm>> -> memref<512x32xf32, #tpu.memory_space<hbm>>
      %dma_wait3A_283 = arith.constant 0 : i32
      %dma_wait3A_284 = arith.constant 0 : i32
      %dma_wait3A_285 = tpu.memref_slice %arg6[%dma_wait3A_275, %dma_wait3A_283, %dma_wait3A_284] : memref<2x512x32xf32, #tpu.memory_space<vmem>> -> memref<1x512x32xf32, #tpu.memory_space<vmem>>
      %dma_wait3A_286 = tpu.memref_squeeze %dma_wait3A_285 : memref<1x512x32xf32, #tpu.memory_space<vmem>> -> memref<512x32xf32, #tpu.memory_space<vmem>>
      %dma_wait3A_287 = arith.constant 0 : i32
      %dma_wait3A_288 = arith.constant 0 : i32
      %dma_wait3A_289 = tpu.memref_slice %arg2[%dma_wait3A_287, %dma_wait3A_288] : memref<1000000x32xf32, #tpu.memory_space<hbm>> -> memref<512x32xf32, #tpu.memory_space<hbm>>
      tpu.wait_dma2 semaphore(%arg8 : memref<!tpu.dma_semaphore, #tpu.memory_space<semaphore_mem>>) src(%dma_wait3A_289 : memref<512x32xf32, #tpu.memory_space<hbm>>) dst(%dma_wait3A_286 : memref<512x32xf32, #tpu.memory_space<vmem>>)
      %gt3A = arith.constant 0 : i32
      %gt3A_290 = arith.cmpi sgt, %scan3A_270, %gt3A : i32
      %convert_element_type3A = arith.extui %gt3A_290 : i1 to i32
      %cond3A = arith.constant 0 : i32
      %cond3A_291 = arith.cmpi ne, %convert_element_type3A, %cond3A : i32
      scf.if %cond3A_291 {
        %dma_wait3A_595 = arith.constant 0 : i32
        %dma_wait3A_596 = arith.constant 0 : i32
        %dma_wait3A_597 = arith.constant 0 : i32
        %dma_wait3A_598 = arith.constant 0 : i32
        %dma_wait3A_599 = arith.constant 0 : i32
        %dma_wait3A_600 = arith.constant 0 : i32
        %dma_wait3A_601 = arith.constant 0 : i32
        %dma_wait3A_602 = tpu.memref_slice %arg7[%dma_wait3A_595, %dma_wait3A_599, %dma_wait3A_596, %dma_wait3A_600, %dma_wait3A_601] : memref<2x4x4x8x131xf32, #tpu.memory_space<vmem>> -> memref<1x4x1x8x128xf32, #tpu.memory_space<vmem>>
        %dma_wait3A_603 = tpu.memref_squeeze %dma_wait3A_602 : memref<1x4x1x8x128xf32, #tpu.memory_space<vmem>> -> memref<4x8x128xf32, #tpu.memory_space<vmem>>
        %dma_wait3A_604 = arith.constant 0 : i32
        %dma_wait3A_605 = arith.constant 0 : i32
        %dma_wait3A_606 = arith.constant 0 : i32
        %dma_wait3A_607 = tpu.memref_slice %arg4[%dma_wait3A_597, %dma_wait3A_598, %dma_wait3A_604, %dma_wait3A_605, %dma_wait3A_606] : memref<26x4x128x8x128xf32, #tpu.memory_space<hbm>> -> memref<1x1x4x8x128xf32, #tpu.memory_space<hbm>>
        %dma_wait3A_608 = tpu.memref_squeeze %dma_wait3A_607 : memref<1x1x4x8x128xf32, #tpu.memory_space<hbm>> -> memref<4x8x128xf32, #tpu.memory_space<hbm>>
        %dma_wait3A_609 = arith.constant 0 : i32
        %dma_wait3A_610 = arith.constant 0 : i32
        %dma_wait3A_611 = arith.constant 0 : i32
        %dma_wait3A_612 = tpu.memref_slice %arg4[%dma_wait3A_597, %dma_wait3A_598, %dma_wait3A_609, %dma_wait3A_610, %dma_wait3A_611] : memref<26x4x128x8x128xf32, #tpu.memory_space<hbm>> -> memref<1x1x4x8x128xf32, #tpu.memory_space<hbm>>
        %dma_wait3A_613 = tpu.memref_squeeze %dma_wait3A_612 : memref<1x1x4x8x128xf32, #tpu.memory_space<hbm>> -> memref<4x8x128xf32, #tpu.memory_space<hbm>>
        %dma_wait3A_614 = arith.constant 0 : i32
        %dma_wait3A_615 = arith.constant 0 : i32
        %dma_wait3A_616 = arith.constant 0 : i32
        %dma_wait3A_617 = tpu.memref_slice %arg7[%dma_wait3A_595, %dma_wait3A_614, %dma_wait3A_596, %dma_wait3A_615, %dma_wait3A_616] : memref<2x4x4x8x131xf32, #tpu.memory_space<vmem>> -> memref<1x4x1x8x128xf32, #tpu.memory_space<vmem>>
        %dma_wait3A_618 = tpu.memref_squeeze %dma_wait3A_617 : memref<1x4x1x8x128xf32, #tpu.memory_space<vmem>> -> memref<4x8x128xf32, #tpu.memory_space<vmem>>
        tpu.wait_dma2 semaphore(%arg10 : memref<!tpu.dma_semaphore, #tpu.memory_space<semaphore_mem>>) src(%dma_wait3A_618 : memref<4x8x128xf32, #tpu.memory_space<vmem>>) dst(%dma_wait3A_613 : memref<4x8x128xf32, #tpu.memory_space<hbm>>)
        %dma_wait3A_619 = arith.constant 0 : i32
        %dma_wait3A_620 = arith.constant 1 : i32
        %dma_wait3A_621 = arith.constant 0 : i32
        %dma_wait3A_622 = arith.constant 0 : i32
        %dma_wait3A_623 = arith.constant 0 : i32
        %dma_wait3A_624 = arith.constant 0 : i32
        %dma_wait3A_625 = arith.constant 0 : i32
        %dma_wait3A_626 = tpu.memref_slice %arg7[%dma_wait3A_619, %dma_wait3A_623, %dma_wait3A_620, %dma_wait3A_624, %dma_wait3A_625] : memref<2x4x4x8x131xf32, #tpu.memory_space<vmem>> -> memref<1x4x1x8x128xf32, #tpu.memory_space<vmem>>
        %dma_wait3A_627 = tpu.memref_squeeze %dma_wait3A_626 : memref<1x4x1x8x128xf32, #tpu.memory_space<vmem>> -> memref<4x8x128xf32, #tpu.memory_space<vmem>>
        %dma_wait3A_628 = arith.constant 0 : i32
        %dma_wait3A_629 = arith.constant 0 : i32
        %dma_wait3A_630 = arith.constant 0 : i32
        %dma_wait3A_631 = tpu.memref_slice %arg4[%dma_wait3A_621, %dma_wait3A_622, %dma_wait3A_628, %dma_wait3A_629, %dma_wait3A_630] : memref<26x4x128x8x128xf32, #tpu.memory_space<hbm>> -> memref<1x1x4x8x128xf32, #tpu.memory_space<hbm>>
        %dma_wait3A_632 = tpu.memref_squeeze %dma_wait3A_631 : memref<1x1x4x8x128xf32, #tpu.memory_space<hbm>> -> memref<4x8x128xf32, #tpu.memory_space<hbm>>
        %dma_wait3A_633 = arith.constant 0 : i32
        %dma_wait3A_634 = arith.constant 0 : i32
        %dma_wait3A_635 = arith.constant 0 : i32
        %dma_wait3A_636 = tpu.memref_slice %arg4[%dma_wait3A_621, %dma_wait3A_622, %dma_wait3A_633, %dma_wait3A_634, %dma_wait3A_635] : memref<26x4x128x8x128xf32, #tpu.memory_space<hbm>> -> memref<1x1x4x8x128xf32, #tpu.memory_space<hbm>>
        %dma_wait3A_637 = tpu.memref_squeeze %dma_wait3A_636 : memref<1x1x4x8x128xf32, #tpu.memory_space<hbm>> -> memref<4x8x128xf32, #tpu.memory_space<hbm>>
        %dma_wait3A_638 = arith.constant 0 : i32
        %dma_wait3A_639 = arith.constant 0 : i32
        %dma_wait3A_640 = arith.constant 0 : i32
        %dma_wait3A_641 = tpu.memref_slice %arg7[%dma_wait3A_619, %dma_wait3A_638, %dma_wait3A_620, %dma_wait3A_639, %dma_wait3A_640] : memref<2x4x4x8x131xf32, #tpu.memory_space<vmem>> -> memref<1x4x1x8x128xf32, #tpu.memory_space<vmem>>
        %dma_wait3A_642 = tpu.memref_squeeze %dma_wait3A_641 : memref<1x4x1x8x128xf32, #tpu.memory_space<vmem>> -> memref<4x8x128xf32, #tpu.memory_space<vmem>>
        tpu.wait_dma2 semaphore(%arg10 : memref<!tpu.dma_semaphore, #tpu.memory_space<semaphore_mem>>) src(%dma_wait3A_642 : memref<4x8x128xf32, #tpu.memory_space<vmem>>) dst(%dma_wait3A_637 : memref<4x8x128xf32, #tpu.memory_space<hbm>>)
        %dma_wait3A_643 = arith.constant 0 : i32
        %dma_wait3A_644 = arith.constant 2 : i32
        %dma_wait3A_645 = arith.constant 0 : i32
        %dma_wait3A_646 = arith.constant 0 : i32
        %dma_wait3A_647 = arith.constant 0 : i32
        %dma_wait3A_648 = arith.constant 0 : i32
        %dma_wait3A_649 = arith.constant 0 : i32
        %dma_wait3A_650 = tpu.memref_slice %arg7[%dma_wait3A_643, %dma_wait3A_647, %dma_wait3A_644, %dma_wait3A_648, %dma_wait3A_649] : memref<2x4x4x8x131xf32, #tpu.memory_space<vmem>> -> memref<1x4x1x8x128xf32, #tpu.memory_space<vmem>>
        %dma_wait3A_651 = tpu.memref_squeeze %dma_wait3A_650 : memref<1x4x1x8x128xf32, #tpu.memory_space<vmem>> -> memref<4x8x128xf32, #tpu.memory_space<vmem>>
        %dma_wait3A_652 = arith.constant 0 : i32
        %dma_wait3A_653 = arith.constant 0 : i32
        %dma_wait3A_654 = arith.constant 0 : i32
        %dma_wait3A_655 = tpu.memref_slice %arg4[%dma_wait3A_645, %dma_wait3A_646, %dma_wait3A_652, %dma_wait3A_653, %dma_wait3A_654] : memref<26x4x128x8x128xf32, #tpu.memory_space<hbm>> -> memref<1x1x4x8x128xf32, #tpu.memory_space<hbm>>
        %dma_wait3A_656 = tpu.memref_squeeze %dma_wait3A_655 : memref<1x1x4x8x128xf32, #tpu.memory_space<hbm>> -> memref<4x8x128xf32, #tpu.memory_space<hbm>>
        %dma_wait3A_657 = arith.constant 0 : i32
        %dma_wait3A_658 = arith.constant 0 : i32
        %dma_wait3A_659 = arith.constant 0 : i32
        %dma_wait3A_660 = tpu.memref_slice %arg4[%dma_wait3A_645, %dma_wait3A_646, %dma_wait3A_657, %dma_wait3A_658, %dma_wait3A_659] : memref<26x4x128x8x128xf32, #tpu.memory_space<hbm>> -> memref<1x1x4x8x128xf32, #tpu.memory_space<hbm>>
        %dma_wait3A_661 = tpu.memref_squeeze %dma_wait3A_660 : memref<1x1x4x8x128xf32, #tpu.memory_space<hbm>> -> memref<4x8x128xf32, #tpu.memory_space<hbm>>
        %dma_wait3A_662 = arith.constant 0 : i32
        %dma_wait3A_663 = arith.constant 0 : i32
        %dma_wait3A_664 = arith.constant 0 : i32
        %dma_wait3A_665 = tpu.memref_slice %arg7[%dma_wait3A_643, %dma_wait3A_662, %dma_wait3A_644, %dma_wait3A_663, %dma_wait3A_664] : memref<2x4x4x8x131xf32, #tpu.memory_space<vmem>> -> memref<1x4x1x8x128xf32, #tpu.memory_space<vmem>>
        %dma_wait3A_666 = tpu.memref_squeeze %dma_wait3A_665 : memref<1x4x1x8x128xf32, #tpu.memory_space<vmem>> -> memref<4x8x128xf32, #tpu.memory_space<vmem>>
        tpu.wait_dma2 semaphore(%arg10 : memref<!tpu.dma_semaphore, #tpu.memory_space<semaphore_mem>>) src(%dma_wait3A_666 : memref<4x8x128xf32, #tpu.memory_space<vmem>>) dst(%dma_wait3A_661 : memref<4x8x128xf32, #tpu.memory_space<hbm>>)
        %dma_wait3A_667 = arith.constant 0 : i32
        %dma_wait3A_668 = arith.constant 3 : i32
        %dma_wait3A_669 = arith.constant 0 : i32
        %dma_wait3A_670 = arith.constant 0 : i32
        %dma_wait3A_671 = arith.constant 0 : i32
        %dma_wait3A_672 = arith.constant 0 : i32
        %dma_wait3A_673 = arith.constant 0 : i32
        %dma_wait3A_674 = tpu.memref_slice %arg7[%dma_wait3A_667, %dma_wait3A_671, %dma_wait3A_668, %dma_wait3A_672, %dma_wait3A_673] : memref<2x4x4x8x131xf32, #tpu.memory_space<vmem>> -> memref<1x4x1x8x128xf32, #tpu.memory_space<vmem>>
        %dma_wait3A_675 = tpu.memref_squeeze %dma_wait3A_674 : memref<1x4x1x8x128xf32, #tpu.memory_space<vmem>> -> memref<4x8x128xf32, #tpu.memory_space<vmem>>
        %dma_wait3A_676 = arith.constant 0 : i32
        %dma_wait3A_677 = arith.constant 0 : i32
        %dma_wait3A_678 = arith.constant 0 : i32
        %dma_wait3A_679 = tpu.memref_slice %arg4[%dma_wait3A_669, %dma_wait3A_670, %dma_wait3A_676, %dma_wait3A_677, %dma_wait3A_678] : memref<26x4x128x8x128xf32, #tpu.memory_space<hbm>> -> memref<1x1x4x8x128xf32, #tpu.memory_space<hbm>>
        %dma_wait3A_680 = tpu.memref_squeeze %dma_wait3A_679 : memref<1x1x4x8x128xf32, #tpu.memory_space<hbm>> -> memref<4x8x128xf32, #tpu.memory_space<hbm>>
        %dma_wait3A_681 = arith.constant 0 : i32
        %dma_wait3A_682 = arith.constant 0 : i32
        %dma_wait3A_683 = arith.constant 0 : i32
        %dma_wait3A_684 = tpu.memref_slice %arg4[%dma_wait3A_669, %dma_wait3A_670, %dma_wait3A_681, %dma_wait3A_682, %dma_wait3A_683] : memref<26x4x128x8x128xf32, #tpu.memory_space<hbm>> -> memref<1x1x4x8x128xf32, #tpu.memory_space<hbm>>
        %dma_wait3A_685 = tpu.memref_squeeze %dma_wait3A_684 : memref<1x1x4x8x128xf32, #tpu.memory_space<hbm>> -> memref<4x8x128xf32, #tpu.memory_space<hbm>>
        %dma_wait3A_686 = arith.constant 0 : i32
        %dma_wait3A_687 = arith.constant 0 : i32
        %dma_wait3A_688 = arith.constant 0 : i32
        %dma_wait3A_689 = tpu.memref_slice %arg7[%dma_wait3A_667, %dma_wait3A_686, %dma_wait3A_668, %dma_wait3A_687, %dma_wait3A_688] : memref<2x4x4x8x131xf32, #tpu.memory_space<vmem>> -> memref<1x4x1x8x128xf32, #tpu.memory_space<vmem>>
        %dma_wait3A_690 = tpu.memref_squeeze %dma_wait3A_689 : memref<1x4x1x8x128xf32, #tpu.memory_space<vmem>> -> memref<4x8x128xf32, #tpu.memory_space<vmem>>
        tpu.wait_dma2 semaphore(%arg10 : memref<!tpu.dma_semaphore, #tpu.memory_space<semaphore_mem>>) src(%dma_wait3A_690 : memref<4x8x128xf32, #tpu.memory_space<vmem>>) dst(%dma_wait3A_685 : memref<4x8x128xf32, #tpu.memory_space<hbm>>)
      } else {
      }
      %add3A_292 = arith.constant 0 : i32
      %add3A_293 = vector.broadcast %add3A_292 : i32 to vector<16xi32>
      %add3A_294 = arith.addi %select_n3A, %add3A_293 : vector<16xi32>
      %add3A_295 = arith.constant 2 : i32
      %add3A_296 = vector.broadcast %add3A_295 : i32 to vector<16xi32>
      %add3A_297 = arith.addi %select_n3A, %add3A_296 : vector<16xi32>
      %scan3A_298 = arith.constant 0 : i32
      %scan3A_299 = arith.constant 0 : i32
      %scan3A_300 = arith.constant 0 : i32
      %scan3A_301 = arith.constant 0 : i32
      %scan3A_302 = arith.constant 128 : i32
      %scan3A_303 = arith.addi %scan3A_301, %scan3A_302 : i32
      %scan3A_304 = arith.constant 1 : i32
      scf.for %scan3A_595 = %scan3A_301 to %scan3A_303 step %scan3A_304  : i32 {
        %mul3A_596 = arith.constant 4 : i32
        %mul3A_597 = arith.muli %scan3A_595, %mul3A_596 : i32
        %jit3A_598 = arith.constant 128 : i32
        %div3A_599 = arith.divsi %mul3A_597, %jit3A_598 : i32
        %sign3A_600 = arith.constant 0 : i32
        %sign3A_601 = arith.cmpi sgt, %mul3A_597, %sign3A_600 : i32
        %sign3A_602 = arith.extui %sign3A_601 : i1 to i32
        %sign3A_603 = arith.constant 0 : i32
        %sign3A_604 = arith.cmpi slt, %mul3A_597, %sign3A_603 : i32
        %sign3A_605 = arith.extui %sign3A_604 : i1 to i32
        %sign3A_606 = arith.subi %sign3A_602, %sign3A_605 : i32
        %sign3A_607 = arith.constant 0 : i32
        %sign3A_608 = arith.cmpi sgt, %jit3A_598, %sign3A_607 : i32
        %sign3A_609 = arith.extui %sign3A_608 : i1 to i32
        %sign3A_610 = arith.constant 0 : i32
        %sign3A_611 = arith.cmpi slt, %jit3A_598, %sign3A_610 : i32
        %sign3A_612 = arith.extui %sign3A_611 : i1 to i32
        %sign3A_613 = arith.subi %sign3A_609, %sign3A_612 : i32
        %ne3A_614 = arith.cmpi ne, %sign3A_606, %sign3A_613 : i32
        %rem3A_615 = arith.remsi %mul3A_597, %jit3A_598 : i32
        %ne3A_616 = arith.constant 0 : i32
        %ne3A_617 = arith.cmpi ne, %rem3A_615, %ne3A_616 : i32
        %and3A_618 = arith.andi %ne3A_614, %ne3A_617 : i1
        %sub3A_619 = arith.constant 1 : i32
        %sub3A_620 = arith.subi %div3A_599, %sub3A_619 : i32
        %select_n3A_621 = arith.select %and3A_618, %sub3A_620, %div3A_599 : i32
        %broadcast_in_dim3A = vector.broadcast %select_n3A_621 : i32 to vector<16xi32>
        %rem3A_622 = arith.constant 128 : i32
        %rem3A_623 = arith.remsi %mul3A_597, %rem3A_622 : i32
        %broadcast_in_dim3A_624 = vector.broadcast %rem3A_623 : i32 to vector<16xi32>
        %add3A_625 = arith.constant 0 : i32
        %add3A_626 = arith.addi %mul3A_597, %add3A_625 : i32
        %get3A = arith.constant 0 : i32
        %get3A_627 = arith.constant 0 : i32
        %get3A_628 = tpu.memref_slice %arg6[%scan3A_299, %get3A, %get3A_627] : memref<2x512x32xf32, #tpu.memory_space<vmem>> -> memref<1x512x32xf32, #tpu.memory_space<vmem>>
        %get3A_629 = tpu.memref_squeeze %get3A_628 : memref<1x512x32xf32, #tpu.memory_space<vmem>> -> memref<512x32xf32, #tpu.memory_space<vmem>>
        %get3A_630 = arith.index_cast %add3A_626 : i32 to index
        %get3A_631 = arith.constant 0 : index
        %get3A_632 = tpu.vector_load %get3A_629[%get3A_630, %get3A_631] {strides = array<i32>} : memref<512x32xf32, #tpu.memory_space<vmem>>, vector<16xf32>,
        %scatter3A = arith.constant 0 : i32
        %scatter3A_633 = arith.constant 0 : i32
        %scatter3A_634 = arith.constant 0 : i32
        %scatter3A_635 = arith.constant 0 : i32
        %scatter3A_636 = tpu.memref_slice %arg7[%scan3A_300, %scatter3A, %scatter3A_633, %scatter3A_634, %scatter3A_635] : memref<2x4x4x8x131xf32, #tpu.memory_space<vmem>> -> memref<1x4x4x8x131xf32, #tpu.memory_space<vmem>>
        %scatter3A_637 = tpu.memref_squeeze %scatter3A_636 : memref<1x4x4x8x131xf32, #tpu.memory_space<vmem>> -> memref<4x4x8x131xf32, #tpu.memory_space<vmem>>
        tpu.vector_store_idx %scatter3A_637[%broadcast_in_dim3A, %add3A_294, %rem3A_30, %broadcast_in_dim3A_624], %get3A_632 : memref<4x4x8x131xf32, #tpu.memory_space<vmem>>[vector<16xi32>, vector<16xi32>, vector<16xi32>, vector<16xi32>], vector<16xf32>,
        %get3A_638 = arith.constant 0 : i32
        %get3A_639 = arith.constant 0 : i32
        %get3A_640 = tpu.memref_slice %arg6[%scan3A_299, %get3A_638, %get3A_639] : memref<2x512x32xf32, #tpu.memory_space<vmem>> -> memref<1x512x32xf32, #tpu.memory_space<vmem>>
        %get3A_641 = tpu.memref_squeeze %get3A_640 : memref<1x512x32xf32, #tpu.memory_space<vmem>> -> memref<512x32xf32, #tpu.memory_space<vmem>>
        %get3A_642 = arith.index_cast %add3A_626 : i32 to index
        %get3A_643 = arith.constant 16 : index
        %get3A_644 = tpu.vector_load %get3A_641[%get3A_642, %get3A_643] {strides = array<i32>} : memref<512x32xf32, #tpu.memory_space<vmem>>, vector<16xf32>,
        %scatter3A_645 = arith.constant 0 : i32
        %scatter3A_646 = arith.constant 0 : i32
        %scatter3A_647 = arith.constant 0 : i32
        %scatter3A_648 = arith.constant 0 : i32
        %scatter3A_649 = tpu.memref_slice %arg7[%scan3A_300, %scatter3A_645, %scatter3A_646, %scatter3A_647, %scatter3A_648] : memref<2x4x4x8x131xf32, #tpu.memory_space<vmem>> -> memref<1x4x4x8x131xf32, #tpu.memory_space<vmem>>
        %scatter3A_650 = tpu.memref_squeeze %scatter3A_649 : memref<1x4x4x8x131xf32, #tpu.memory_space<vmem>> -> memref<4x4x8x131xf32, #tpu.memory_space<vmem>>
        tpu.vector_store_idx %scatter3A_650[%broadcast_in_dim3A, %add3A_297, %rem3A_30, %broadcast_in_dim3A_624], %get3A_644 : memref<4x4x8x131xf32, #tpu.memory_space<vmem>>[vector<16xi32>, vector<16xi32>, vector<16xi32>, vector<16xi32>], vector<16xf32>,
        %add3A_651 = arith.constant 1 : i32
        %add3A_652 = arith.addi %mul3A_597, %add3A_651 : i32
        %add3A_653 = arith.constant 1 : i32
        %add3A_654 = vector.broadcast %add3A_653 : i32 to vector<16xi32>
        %add3A_655 = arith.addi %broadcast_in_dim3A_624, %add3A_654 : vector<16xi32>
        %get3A_656 = arith.constant 0 : i32
        %get3A_657 = arith.constant 0 : i32
        %get3A_658 = tpu.memref_slice %arg6[%scan3A_299, %get3A_656, %get3A_657] : memref<2x512x32xf32, #tpu.memory_space<vmem>> -> memref<1x512x32xf32, #tpu.memory_space<vmem>>
        %get3A_659 = tpu.memref_squeeze %get3A_658 : memref<1x512x32xf32, #tpu.memory_space<vmem>> -> memref<512x32xf32, #tpu.memory_space<vmem>>
        %get3A_660 = arith.index_cast %add3A_652 : i32 to index
        %get3A_661 = arith.constant 0 : index
        %get3A_662 = tpu.vector_load %get3A_659[%get3A_660, %get3A_661] {strides = array<i32>} : memref<512x32xf32, #tpu.memory_space<vmem>>, vector<16xf32>,
        %scatter3A_663 = arith.constant 0 : i32
        %scatter3A_664 = arith.constant 0 : i32
        %scatter3A_665 = arith.constant 0 : i32
        %scatter3A_666 = arith.constant 0 : i32
        %scatter3A_667 = tpu.memref_slice %arg7[%scan3A_300, %scatter3A_663, %scatter3A_664, %scatter3A_665, %scatter3A_666] : memref<2x4x4x8x131xf32, #tpu.memory_space<vmem>> -> memref<1x4x4x8x131xf32, #tpu.memory_space<vmem>>
        %scatter3A_668 = tpu.memref_squeeze %scatter3A_667 : memref<1x4x4x8x131xf32, #tpu.memory_space<vmem>> -> memref<4x4x8x131xf32, #tpu.memory_space<vmem>>
        tpu.vector_store_idx %scatter3A_668[%broadcast_in_dim3A, %add3A_294, %rem3A_30, %add3A_655], %get3A_662 : memref<4x4x8x131xf32, #tpu.memory_space<vmem>>[vector<16xi32>, vector<16xi32>, vector<16xi32>, vector<16xi32>], vector<16xf32>,
        %get3A_669 = arith.constant 0 : i32
        %get3A_670 = arith.constant 0 : i32
        %get3A_671 = tpu.memref_slice %arg6[%scan3A_299, %get3A_669, %get3A_670] : memref<2x512x32xf32, #tpu.memory_space<vmem>> -> memref<1x512x32xf32, #tpu.memory_space<vmem>>
        %get3A_672 = tpu.memref_squeeze %get3A_671 : memref<1x512x32xf32, #tpu.memory_space<vmem>> -> memref<512x32xf32, #tpu.memory_space<vmem>>
        %get3A_673 = arith.index_cast %add3A_652 : i32 to index
        %get3A_674 = arith.constant 16 : index
        %get3A_675 = tpu.vector_load %get3A_672[%get3A_673, %get3A_674] {strides = array<i32>} : memref<512x32xf32, #tpu.memory_space<vmem>>, vector<16xf32>,
        %scatter3A_676 = arith.constant 0 : i32
        %scatter3A_677 = arith.constant 0 : i32
        %scatter3A_678 = arith.constant 0 : i32
        %scatter3A_679 = arith.constant 0 : i32
        %scatter3A_680 = tpu.memref_slice %arg7[%scan3A_300, %scatter3A_676, %scatter3A_677, %scatter3A_678, %scatter3A_679] : memref<2x4x4x8x131xf32, #tpu.memory_space<vmem>> -> memref<1x4x4x8x131xf32, #tpu.memory_space<vmem>>
        %scatter3A_681 = tpu.memref_squeeze %scatter3A_680 : memref<1x4x4x8x131xf32, #tpu.memory_space<vmem>> -> memref<4x4x8x131xf32, #tpu.memory_space<vmem>>
        tpu.vector_store_idx %scatter3A_681[%broadcast_in_dim3A, %add3A_297, %rem3A_30, %add3A_655], %get3A_675 : memref<4x4x8x131xf32, #tpu.memory_space<vmem>>[vector<16xi32>, vector<16xi32>, vector<16xi32>, vector<16xi32>], vector<16xf32>,
        %add3A_682 = arith.constant 2 : i32
        %add3A_683 = arith.addi %mul3A_597, %add3A_682 : i32
        %add3A_684 = arith.constant 2 : i32
        %add3A_685 = vector.broadcast %add3A_684 : i32 to vector<16xi32>
        %add3A_686 = arith.addi %broadcast_in_dim3A_624, %add3A_685 : vector<16xi32>
        %get3A_687 = arith.constant 0 : i32
        %get3A_688 = arith.constant 0 : i32
        %get3A_689 = tpu.memref_slice %arg6[%scan3A_299, %get3A_687, %get3A_688] : memref<2x512x32xf32, #tpu.memory_space<vmem>> -> memref<1x512x32xf32, #tpu.memory_space<vmem>>
        %get3A_690 = tpu.memref_squeeze %get3A_689 : memref<1x512x32xf32, #tpu.memory_space<vmem>> -> memref<512x32xf32, #tpu.memory_space<vmem>>
        %get3A_691 = arith.index_cast %add3A_683 : i32 to index
        %get3A_692 = arith.constant 0 : index
        %get3A_693 = tpu.vector_load %get3A_690[%get3A_691, %get3A_692] {strides = array<i32>} : memref<512x32xf32, #tpu.memory_space<vmem>>, vector<16xf32>,
        %scatter3A_694 = arith.constant 0 : i32
        %scatter3A_695 = arith.constant 0 : i32
        %scatter3A_696 = arith.constant 0 : i32
        %scatter3A_697 = arith.constant 0 : i32
        %scatter3A_698 = tpu.memref_slice %arg7[%scan3A_300, %scatter3A_694, %scatter3A_695, %scatter3A_696, %scatter3A_697] : memref<2x4x4x8x131xf32, #tpu.memory_space<vmem>> -> memref<1x4x4x8x131xf32, #tpu.memory_space<vmem>>
        %scatter3A_699 = tpu.memref_squeeze %scatter3A_698 : memref<1x4x4x8x131xf32, #tpu.memory_space<vmem>> -> memref<4x4x8x131xf32, #tpu.memory_space<vmem>>
        tpu.vector_store_idx %scatter3A_699[%broadcast_in_dim3A, %add3A_294, %rem3A_30, %add3A_686], %get3A_693 : memref<4x4x8x131xf32, #tpu.memory_space<vmem>>[vector<16xi32>, vector<16xi32>, vector<16xi32>, vector<16xi32>], vector<16xf32>,
        %get3A_700 = arith.constant 0 : i32
        %get3A_701 = arith.constant 0 : i32
        %get3A_702 = tpu.memref_slice %arg6[%scan3A_299, %get3A_700, %get3A_701] : memref<2x512x32xf32, #tpu.memory_space<vmem>> -> memref<1x512x32xf32, #tpu.memory_space<vmem>>
        %get3A_703 = tpu.memref_squeeze %get3A_702 : memref<1x512x32xf32, #tpu.memory_space<vmem>> -> memref<512x32xf32, #tpu.memory_space<vmem>>
        %get3A_704 = arith.index_cast %add3A_683 : i32 to index
        %get3A_705 = arith.constant 16 : index
        %get3A_706 = tpu.vector_load %get3A_703[%get3A_704, %get3A_705] {strides = array<i32>} : memref<512x32xf32, #tpu.memory_space<vmem>>, vector<16xf32>,
        %scatter3A_707 = arith.constant 0 : i32
        %scatter3A_708 = arith.constant 0 : i32
        %scatter3A_709 = arith.constant 0 : i32
        %scatter3A_710 = arith.constant 0 : i32
        %scatter3A_711 = tpu.memref_slice %arg7[%scan3A_300, %scatter3A_707, %scatter3A_708, %scatter3A_709, %scatter3A_710] : memref<2x4x4x8x131xf32, #tpu.memory_space<vmem>> -> memref<1x4x4x8x131xf32, #tpu.memory_space<vmem>>
        %scatter3A_712 = tpu.memref_squeeze %scatter3A_711 : memref<1x4x4x8x131xf32, #tpu.memory_space<vmem>> -> memref<4x4x8x131xf32, #tpu.memory_space<vmem>>
        tpu.vector_store_idx %scatter3A_712[%broadcast_in_dim3A, %add3A_297, %rem3A_30, %add3A_686], %get3A_706 : memref<4x4x8x131xf32, #tpu.memory_space<vmem>>[vector<16xi32>, vector<16xi32>, vector<16xi32>, vector<16xi32>], vector<16xf32>,
        %add3A_713 = arith.constant 3 : i32
        %add3A_714 = arith.addi %mul3A_597, %add3A_713 : i32
        %add3A_715 = arith.constant 3 : i32
        %add3A_716 = vector.broadcast %add3A_715 : i32 to vector<16xi32>
        %add3A_717 = arith.addi %broadcast_in_dim3A_624, %add3A_716 : vector<16xi32>
        %get3A_718 = arith.constant 0 : i32
        %get3A_719 = arith.constant 0 : i32
        %get3A_720 = tpu.memref_slice %arg6[%scan3A_299, %get3A_718, %get3A_719] : memref<2x512x32xf32, #tpu.memory_space<vmem>> -> memref<1x512x32xf32, #tpu.memory_space<vmem>>
        %get3A_721 = tpu.memref_squeeze %get3A_720 : memref<1x512x32xf32, #tpu.memory_space<vmem>> -> memref<512x32xf32, #tpu.memory_space<vmem>>
        %get3A_722 = arith.index_cast %add3A_714 : i32 to index
        %get3A_723 = arith.constant 0 : index
        %get3A_724 = tpu.vector_load %get3A_721[%get3A_722, %get3A_723] {strides = array<i32>} : memref<512x32xf32, #tpu.memory_space<vmem>>, vector<16xf32>,
        %scatter3A_725 = arith.constant 0 : i32
        %scatter3A_726 = arith.constant 0 : i32
        %scatter3A_727 = arith.constant 0 : i32
        %scatter3A_728 = arith.constant 0 : i32
        %scatter3A_729 = tpu.memref_slice %arg7[%scan3A_300, %scatter3A_725, %scatter3A_726, %scatter3A_727, %scatter3A_728] : memref<2x4x4x8x131xf32, #tpu.memory_space<vmem>> -> memref<1x4x4x8x131xf32, #tpu.memory_space<vmem>>
        %scatter3A_730 = tpu.memref_squeeze %scatter3A_729 : memref<1x4x4x8x131xf32, #tpu.memory_space<vmem>> -> memref<4x4x8x131xf32, #tpu.memory_space<vmem>>
        tpu.vector_store_idx %scatter3A_730[%broadcast_in_dim3A, %add3A_294, %rem3A_30, %add3A_717], %get3A_724 : memref<4x4x8x131xf32, #tpu.memory_space<vmem>>[vector<16xi32>, vector<16xi32>, vector<16xi32>, vector<16xi32>], vector<16xf32>,
        %get3A_731 = arith.constant 0 : i32
        %get3A_732 = arith.constant 0 : i32
        %get3A_733 = tpu.memref_slice %arg6[%scan3A_299, %get3A_731, %get3A_732] : memref<2x512x32xf32, #tpu.memory_space<vmem>> -> memref<1x512x32xf32, #tpu.memory_space<vmem>>
        %get3A_734 = tpu.memref_squeeze %get3A_733 : memref<1x512x32xf32, #tpu.memory_space<vmem>> -> memref<512x32xf32, #tpu.memory_space<vmem>>
        %get3A_735 = arith.index_cast %add3A_714 : i32 to index
        %get3A_736 = arith.constant 16 : index
        %get3A_737 = tpu.vector_load %get3A_734[%get3A_735, %get3A_736] {strides = array<i32>} : memref<512x32xf32, #tpu.memory_space<vmem>>, vector<16xf32>,
        %scatter3A_738 = arith.constant 0 : i32
        %scatter3A_739 = arith.constant 0 : i32
        %scatter3A_740 = arith.constant 0 : i32
        %scatter3A_741 = arith.constant 0 : i32
        %scatter3A_742 = tpu.memref_slice %arg7[%scan3A_300, %scatter3A_738, %scatter3A_739, %scatter3A_740, %scatter3A_741] : memref<2x4x4x8x131xf32, #tpu.memory_space<vmem>> -> memref<1x4x4x8x131xf32, #tpu.memory_space<vmem>>
        %scatter3A_743 = tpu.memref_squeeze %scatter3A_742 : memref<1x4x4x8x131xf32, #tpu.memory_space<vmem>> -> memref<4x4x8x131xf32, #tpu.memory_space<vmem>>
        tpu.vector_store_idx %scatter3A_743[%broadcast_in_dim3A, %add3A_297, %rem3A_30, %add3A_717], %get3A_737 : memref<4x4x8x131xf32, #tpu.memory_space<vmem>>[vector<16xi32>, vector<16xi32>, vector<16xi32>, vector<16xi32>], vector<16xf32>,
      }
      %scan3A_305 = arith.constant 128 : i32
      %add3A_306 = arith.constant 2 : i32
      %add3A_307 = arith.addi %add3A_274, %add3A_306 : i32
      %lt3A = arith.constant 26 : i32
      %lt3A_308 = arith.cmpi slt, %add3A_307, %lt3A : i32
      %convert_element_type3A_309 = arith.extui %lt3A_308 : i1 to i32
      %cond3A_310 = arith.constant 0 : i32
      %cond3A_311 = arith.cmpi ne, %convert_element_type3A_309, %cond3A_310 : i32
      scf.if %cond3A_311 {
        %add3A_595 = arith.constant 2 : i32
        %add3A_596 = arith.addi %add3A_274, %add3A_595 : i32
        %mul3A_597 = arith.constant 512 : i32
        %mul3A_598 = arith.muli %add3A_596, %mul3A_597 : i32
        %dma_start3A_599 = arith.constant 0 : i32
        %dma_start3A_600 = arith.constant 0 : i32
        %dma_start3A_601 = arith.constant 0 : i32
        %dma_start3A_602 = tpu.memref_slice %arg6[%dma_start3A_599, %dma_start3A_600, %dma_start3A_601] : memref<2x512x32xf32, #tpu.memory_space<vmem>> -> memref<1x512x32xf32, #tpu.memory_space<vmem>>
        %dma_start3A_603 = tpu.memref_squeeze %dma_start3A_602 : memref<1x512x32xf32, #tpu.memory_space<vmem>> -> memref<512x32xf32, #tpu.memory_space<vmem>>
        %dma_start3A_604 = tpu.memref_slice %arg5[%mul3A_598] : memref<13312xi32, #tpu.memory_space<vmem>> -> memref<512xi32, #tpu.memory_space<vmem>>
        %dma_start3A_605 = arith.constant 0 : i32
        %dma_start3A_606 = arith.constant 0 : i32
        %dma_start3A_607 = tpu.memref_slice %arg2[%dma_start3A_605, %dma_start3A_606] : memref<1000000x32xf32, #tpu.memory_space<hbm>> -> memref<1000000x32xf32, #tpu.memory_space<hbm>>
        tpu.enqueue_indirect_dma source(%dma_start3A_607 : memref<1000000x32xf32, #tpu.memory_space<hbm>>) target(%dma_start3A_603 : memref<512x32xf32, #tpu.memory_space<vmem>>) offsets(%dma_start3A_604 : memref<512xi32, #tpu.memory_space<vmem>>) semaphore(%arg8 : memref<!tpu.dma_semaphore, #tpu.memory_space<semaphore_mem>>)
      } else {
      }
      %add3A_312 = arith.addi %mul3A_28, %add3A_274 : i32
      %jit3A_313 = arith.constant 32 : i32
      %div3A_314 = arith.divsi %add3A_312, %jit3A_313 : i32
      %sign3A_315 = arith.constant 0 : i32
      %sign3A_316 = arith.cmpi sgt, %add3A_312, %sign3A_315 : i32
      %sign3A_317 = arith.extui %sign3A_316 : i1 to i32
      %sign3A_318 = arith.constant 0 : i32
      %sign3A_319 = arith.cmpi slt, %add3A_312, %sign3A_318 : i32
      %sign3A_320 = arith.extui %sign3A_319 : i1 to i32
      %sign3A_321 = arith.subi %sign3A_317, %sign3A_320 : i32
      %sign3A_322 = arith.constant 0 : i32
      %sign3A_323 = arith.cmpi sgt, %jit3A_313, %sign3A_322 : i32
      %sign3A_324 = arith.extui %sign3A_323 : i1 to i32
      %sign3A_325 = arith.constant 0 : i32
      %sign3A_326 = arith.cmpi slt, %jit3A_313, %sign3A_325 : i32
      %sign3A_327 = arith.extui %sign3A_326 : i1 to i32
      %sign3A_328 = arith.subi %sign3A_324, %sign3A_327 : i32
      %ne3A_329 = arith.cmpi ne, %sign3A_321, %sign3A_328 : i32
      %rem3A_330 = arith.remsi %add3A_312, %jit3A_313 : i32
      %ne3A_331 = arith.constant 0 : i32
      %ne3A_332 = arith.cmpi ne, %rem3A_330, %ne3A_331 : i32
      %and3A_333 = arith.andi %ne3A_329, %ne3A_332 : i1
      %sub3A_334 = arith.constant 1 : i32
      %sub3A_335 = arith.subi %div3A_314, %sub3A_334 : i32
      %select_n3A_336 = arith.select %and3A_333, %sub3A_335, %div3A_314 : i32
      %rem3A_337 = arith.constant 32 : i32
      %rem3A_338 = arith.remsi %add3A_312, %rem3A_337 : i32
      %mul3A_339 = arith.constant 4 : i32
      %mul3A_340 = arith.muli %rem3A_338, %mul3A_339 : i32
      %dma_start3A_341 = arith.constant 0 : i32
      %dma_start3A_342 = arith.constant 0 : i32
      %dma_start3A_343 = arith.constant 0 : i32
      %dma_start3A_344 = arith.constant 0 : i32
      %dma_start3A_345 = arith.constant 0 : i32
      %dma_start3A_346 = arith.constant 0 : i32
      %dma_start3A_347 = tpu.memref_slice %arg7[%dma_start3A_341, %dma_start3A_344, %dma_start3A_342, %dma_start3A_345, %dma_start3A_346] : memref<2x4x4x8x131xf32, #tpu.memory_space<vmem>> -> memref<1x4x1x8x128xf32, #tpu.memory_space<vmem>>
      %dma_start3A_348 = tpu.memref_squeeze %dma_start3A_347 : memref<1x4x1x8x128xf32, #tpu.memory_space<vmem>> -> memref<4x8x128xf32, #tpu.memory_space<vmem>>
      %dma_start3A_349 = arith.constant 0 : i32
      %dma_start3A_350 = arith.constant 0 : i32
      %dma_start3A_351 = tpu.memref_slice %arg4[%select_n3A_336, %dma_start3A_343, %mul3A_340, %dma_start3A_349, %dma_start3A_350] : memref<26x4x128x8x128xf32, #tpu.memory_space<hbm>> -> memref<1x1x4x8x128xf32, #tpu.memory_space<hbm>>
      %dma_start3A_352 = tpu.memref_squeeze %dma_start3A_351 : memref<1x1x4x8x128xf32, #tpu.memory_space<hbm>> -> memref<4x8x128xf32, #tpu.memory_space<hbm>>
      %dma_start3A_353 = arith.constant 0 : i32
      %dma_start3A_354 = arith.constant 0 : i32
      %dma_start3A_355 = tpu.memref_slice %arg4[%select_n3A_336, %dma_start3A_343, %mul3A_340, %dma_start3A_353, %dma_start3A_354] : memref<26x4x128x8x128xf32, #tpu.memory_space<hbm>> -> memref<1x1x4x8x128xf32, #tpu.memory_space<hbm>>
      %dma_start3A_356 = tpu.memref_squeeze %dma_start3A_355 : memref<1x1x4x8x128xf32, #tpu.memory_space<hbm>> -> memref<4x8x128xf32, #tpu.memory_space<hbm>>
      %dma_start3A_357 = arith.constant 0 : i32
      %dma_start3A_358 = arith.constant 0 : i32
      %dma_start3A_359 = arith.constant 0 : i32
      %dma_start3A_360 = tpu.memref_slice %arg7[%dma_start3A_341, %dma_start3A_357, %dma_start3A_342, %dma_start3A_358, %dma_start3A_359] : memref<2x4x4x8x131xf32, #tpu.memory_space<vmem>> -> memref<1x4x1x8x128xf32, #tpu.memory_space<vmem>>
      %dma_start3A_361 = tpu.memref_squeeze %dma_start3A_360 : memref<1x4x1x8x128xf32, #tpu.memory_space<vmem>> -> memref<4x8x128xf32, #tpu.memory_space<vmem>>
      tpu.enqueue_dma source(%dma_start3A_361 : memref<4x8x128xf32, #tpu.memory_space<vmem>>) target(%dma_start3A_356 : memref<4x8x128xf32, #tpu.memory_space<hbm>>) target_semaphore(%arg10 : memref<!tpu.dma_semaphore, #tpu.memory_space<semaphore_mem>>)
      %mul3A_362 = arith.constant 4 : i32
      %mul3A_363 = arith.muli %rem3A_338, %mul3A_362 : i32
      %dma_start3A_364 = arith.constant 0 : i32
      %dma_start3A_365 = arith.constant 1 : i32
      %dma_start3A_366 = arith.constant 1 : i32
      %dma_start3A_367 = arith.constant 0 : i32
      %dma_start3A_368 = arith.constant 0 : i32
      %dma_start3A_369 = arith.constant 0 : i32
      %dma_start3A_370 = tpu.memref_slice %arg7[%dma_start3A_364, %dma_start3A_367, %dma_start3A_365, %dma_start3A_368, %dma_start3A_369] : memref<2x4x4x8x131xf32, #tpu.memory_space<vmem>> -> memref<1x4x1x8x128xf32, #tpu.memory_space<vmem>>
      %dma_start3A_371 = tpu.memref_squeeze %dma_start3A_370 : memref<1x4x1x8x128xf32, #tpu.memory_space<vmem>> -> memref<4x8x128xf32, #tpu.memory_space<vmem>>
      %dma_start3A_372 = arith.constant 0 : i32
      %dma_start3A_373 = arith.constant 0 : i32
      %dma_start3A_374 = tpu.memref_slice %arg4[%select_n3A_336, %dma_start3A_366, %mul3A_363, %dma_start3A_372, %dma_start3A_373] : memref<26x4x128x8x128xf32, #tpu.memory_space<hbm>> -> memref<1x1x4x8x128xf32, #tpu.memory_space<hbm>>
      %dma_start3A_375 = tpu.memref_squeeze %dma_start3A_374 : memref<1x1x4x8x128xf32, #tpu.memory_space<hbm>> -> memref<4x8x128xf32, #tpu.memory_space<hbm>>
      %dma_start3A_376 = arith.constant 0 : i32
      %dma_start3A_377 = arith.constant 0 : i32
      %dma_start3A_378 = tpu.memref_slice %arg4[%select_n3A_336, %dma_start3A_366, %mul3A_363, %dma_start3A_376, %dma_start3A_377] : memref<26x4x128x8x128xf32, #tpu.memory_space<hbm>> -> memref<1x1x4x8x128xf32, #tpu.memory_space<hbm>>
      %dma_start3A_379 = tpu.memref_squeeze %dma_start3A_378 : memref<1x1x4x8x128xf32, #tpu.memory_space<hbm>> -> memref<4x8x128xf32, #tpu.memory_space<hbm>>
      %dma_start3A_380 = arith.constant 0 : i32
      %dma_start3A_381 = arith.constant 0 : i32
      %dma_start3A_382 = arith.constant 0 : i32
      %dma_start3A_383 = tpu.memref_slice %arg7[%dma_start3A_364, %dma_start3A_380, %dma_start3A_365, %dma_start3A_381, %dma_start3A_382] : memref<2x4x4x8x131xf32, #tpu.memory_space<vmem>> -> memref<1x4x1x8x128xf32, #tpu.memory_space<vmem>>
      %dma_start3A_384 = tpu.memref_squeeze %dma_start3A_383 : memref<1x4x1x8x128xf32, #tpu.memory_space<vmem>> -> memref<4x8x128xf32, #tpu.memory_space<vmem>>
      tpu.enqueue_dma source(%dma_start3A_384 : memref<4x8x128xf32, #tpu.memory_space<vmem>>) target(%dma_start3A_379 : memref<4x8x128xf32, #tpu.memory_space<hbm>>) target_semaphore(%arg10 : memref<!tpu.dma_semaphore, #tpu.memory_space<semaphore_mem>>)
      %mul3A_385 = arith.constant 4 : i32
      %mul3A_386 = arith.muli %rem3A_338, %mul3A_385 : i32
      %dma_start3A_387 = arith.constant 0 : i32
      %dma_start3A_388 = arith.constant 2 : i32
      %dma_start3A_389 = arith.constant 2 : i32
      %dma_start3A_390 = arith.constant 0 : i32
      %dma_start3A_391 = arith.constant 0 : i32
      %dma_start3A_392 = arith.constant 0 : i32
      %dma_start3A_393 = tpu.memref_slice %arg7[%dma_start3A_387, %dma_start3A_390, %dma_start3A_388, %dma_start3A_391, %dma_start3A_392] : memref<2x4x4x8x131xf32, #tpu.memory_space<vmem>> -> memref<1x4x1x8x128xf32, #tpu.memory_space<vmem>>
      %dma_start3A_394 = tpu.memref_squeeze %dma_start3A_393 : memref<1x4x1x8x128xf32, #tpu.memory_space<vmem>> -> memref<4x8x128xf32, #tpu.memory_space<vmem>>
      %dma_start3A_395 = arith.constant 0 : i32
      %dma_start3A_396 = arith.constant 0 : i32
      %dma_start3A_397 = tpu.memref_slice %arg4[%select_n3A_336, %dma_start3A_389, %mul3A_386, %dma_start3A_395, %dma_start3A_396] : memref<26x4x128x8x128xf32, #tpu.memory_space<hbm>> -> memref<1x1x4x8x128xf32, #tpu.memory_space<hbm>>
      %dma_start3A_398 = tpu.memref_squeeze %dma_start3A_397 : memref<1x1x4x8x128xf32, #tpu.memory_space<hbm>> -> memref<4x8x128xf32, #tpu.memory_space<hbm>>
      %dma_start3A_399 = arith.constant 0 : i32
      %dma_start3A_400 = arith.constant 0 : i32
      %dma_start3A_401 = tpu.memref_slice %arg4[%select_n3A_336, %dma_start3A_389, %mul3A_386, %dma_start3A_399, %dma_start3A_400] : memref<26x4x128x8x128xf32, #tpu.memory_space<hbm>> -> memref<1x1x4x8x128xf32, #tpu.memory_space<hbm>>
      %dma_start3A_402 = tpu.memref_squeeze %dma_start3A_401 : memref<1x1x4x8x128xf32, #tpu.memory_space<hbm>> -> memref<4x8x128xf32, #tpu.memory_space<hbm>>
      %dma_start3A_403 = arith.constant 0 : i32
      %dma_start3A_404 = arith.constant 0 : i32
      %dma_start3A_405 = arith.constant 0 : i32
      %dma_start3A_406 = tpu.memref_slice %arg7[%dma_start3A_387, %dma_start3A_403, %dma_start3A_388, %dma_start3A_404, %dma_start3A_405] : memref<2x4x4x8x131xf32, #tpu.memory_space<vmem>> -> memref<1x4x1x8x128xf32, #tpu.memory_space<vmem>>
      %dma_start3A_407 = tpu.memref_squeeze %dma_start3A_406 : memref<1x4x1x8x128xf32, #tpu.memory_space<vmem>> -> memref<4x8x128xf32, #tpu.memory_space<vmem>>
      tpu.enqueue_dma source(%dma_start3A_407 : memref<4x8x128xf32, #tpu.memory_space<vmem>>) target(%dma_start3A_402 : memref<4x8x128xf32, #tpu.memory_space<hbm>>) target_semaphore(%arg10 : memref<!tpu.dma_semaphore, #tpu.memory_space<semaphore_mem>>)
      %mul3A_408 = arith.constant 4 : i32
      %mul3A_409 = arith.muli %rem3A_338, %mul3A_408 : i32
      %dma_start3A_410 = arith.constant 0 : i32
      %dma_start3A_411 = arith.constant 3 : i32
      %dma_start3A_412 = arith.constant 3 : i32
      %dma_start3A_413 = arith.constant 0 : i32
      %dma_start3A_414 = arith.constant 0 : i32
      %dma_start3A_415 = arith.constant 0 : i32
      %dma_start3A_416 = tpu.memref_slice %arg7[%dma_start3A_410, %dma_start3A_413, %dma_start3A_411, %dma_start3A_414, %dma_start3A_415] : memref<2x4x4x8x131xf32, #tpu.memory_space<vmem>> -> memref<1x4x1x8x128xf32, #tpu.memory_space<vmem>>
      %dma_start3A_417 = tpu.memref_squeeze %dma_start3A_416 : memref<1x4x1x8x128xf32, #tpu.memory_space<vmem>> -> memref<4x8x128xf32, #tpu.memory_space<vmem>>
      %dma_start3A_418 = arith.constant 0 : i32
      %dma_start3A_419 = arith.constant 0 : i32
      %dma_start3A_420 = tpu.memref_slice %arg4[%select_n3A_336, %dma_start3A_412, %mul3A_409, %dma_start3A_418, %dma_start3A_419] : memref<26x4x128x8x128xf32, #tpu.memory_space<hbm>> -> memref<1x1x4x8x128xf32, #tpu.memory_space<hbm>>
      %dma_start3A_421 = tpu.memref_squeeze %dma_start3A_420 : memref<1x1x4x8x128xf32, #tpu.memory_space<hbm>> -> memref<4x8x128xf32, #tpu.memory_space<hbm>>
      %dma_start3A_422 = arith.constant 0 : i32
      %dma_start3A_423 = arith.constant 0 : i32
      %dma_start3A_424 = tpu.memref_slice %arg4[%select_n3A_336, %dma_start3A_412, %mul3A_409, %dma_start3A_422, %dma_start3A_423] : memref<26x4x128x8x128xf32, #tpu.memory_space<hbm>> -> memref<1x1x4x8x128xf32, #tpu.memory_space<hbm>>
      %dma_start3A_425 = tpu.memref_squeeze %dma_start3A_424 : memref<1x1x4x8x128xf32, #tpu.memory_space<hbm>> -> memref<4x8x128xf32, #tpu.memory_space<hbm>>
      %dma_start3A_426 = arith.constant 0 : i32
      %dma_start3A_427 = arith.constant 0 : i32
      %dma_start3A_428 = arith.constant 0 : i32
      %dma_start3A_429 = tpu.memref_slice %arg7[%dma_start3A_410, %dma_start3A_426, %dma_start3A_411, %dma_start3A_427, %dma_start3A_428] : memref<2x4x4x8x131xf32, #tpu.memory_space<vmem>> -> memref<1x4x1x8x128xf32, #tpu.memory_space<vmem>>
      %dma_start3A_430 = tpu.memref_squeeze %dma_start3A_429 : memref<1x4x1x8x128xf32, #tpu.memory_space<vmem>> -> memref<4x8x128xf32, #tpu.memory_space<vmem>>
      tpu.enqueue_dma source(%dma_start3A_430 : memref<4x8x128xf32, #tpu.memory_space<vmem>>) target(%dma_start3A_425 : memref<4x8x128xf32, #tpu.memory_space<hbm>>) target_semaphore(%arg10 : memref<!tpu.dma_semaphore, #tpu.memory_space<semaphore_mem>>)
      %mul3A_431 = arith.constant 2 : i32
      %mul3A_432 = arith.muli %scan3A_270, %mul3A_431 : i32
      %add3A_433 = arith.constant 1 : i32
      %add3A_434 = arith.addi %mul3A_432, %add3A_433 : i32
      %dma_wait3A_435 = arith.constant 1 : i32
      %dma_wait3A_436 = arith.constant 0 : i32
      %dma_wait3A_437 = arith.constant 0 : i32
      %dma_wait3A_438 = tpu.memref_slice %arg6[%dma_wait3A_435, %dma_wait3A_436, %dma_wait3A_437] : memref<2x512x32xf32, #tpu.memory_space<vmem>> -> memref<1x512x32xf32, #tpu.memory_space<vmem>>
      %dma_wait3A_439 = tpu.memref_squeeze %dma_wait3A_438 : memref<1x512x32xf32, #tpu.memory_space<vmem>> -> memref<512x32xf32, #tpu.memory_space<vmem>>
      %dma_wait3A_440 = arith.constant 0 : i32
      %dma_wait3A_441 = arith.constant 0 : i32
      %dma_wait3A_442 = tpu.memref_slice %arg2[%dma_wait3A_440, %dma_wait3A_441] : memref<1000000x32xf32, #tpu.memory_space<hbm>> -> memref<512x32xf32, #tpu.memory_space<hbm>>
      %dma_wait3A_443 = arith.constant 0 : i32
      %dma_wait3A_444 = arith.constant 0 : i32
      %dma_wait3A_445 = tpu.memref_slice %arg6[%dma_wait3A_435, %dma_wait3A_443, %dma_wait3A_444] : memref<2x512x32xf32, #tpu.memory_space<vmem>> -> memref<1x512x32xf32, #tpu.memory_space<vmem>>
      %dma_wait3A_446 = tpu.memref_squeeze %dma_wait3A_445 : memref<1x512x32xf32, #tpu.memory_space<vmem>> -> memref<512x32xf32, #tpu.memory_space<vmem>>
      %dma_wait3A_447 = arith.constant 0 : i32
      %dma_wait3A_448 = arith.constant 0 : i32
      %dma_wait3A_449 = tpu.memref_slice %arg2[%dma_wait3A_447, %dma_wait3A_448] : memref<1000000x32xf32, #tpu.memory_space<hbm>> -> memref<512x32xf32, #tpu.memory_space<hbm>>
      tpu.wait_dma2 semaphore(%arg9 : memref<!tpu.dma_semaphore, #tpu.memory_space<semaphore_mem>>) src(%dma_wait3A_449 : memref<512x32xf32, #tpu.memory_space<hbm>>) dst(%dma_wait3A_446 : memref<512x32xf32, #tpu.memory_space<vmem>>)
      %gt3A_450 = arith.constant 0 : i32
      %gt3A_451 = arith.cmpi sgt, %scan3A_270, %gt3A_450 : i32
      %convert_element_type3A_452 = arith.extui %gt3A_451 : i1 to i32
      %cond3A_453 = arith.constant 0 : i32
      %cond3A_454 = arith.cmpi ne, %convert_element_type3A_452, %cond3A_453 : i32
      scf.if %cond3A_454 {
        %dma_wait3A_595 = arith.constant 1 : i32
        %dma_wait3A_596 = arith.constant 0 : i32
        %dma_wait3A_597 = arith.constant 0 : i32
        %dma_wait3A_598 = arith.constant 0 : i32
        %dma_wait3A_599 = arith.constant 0 : i32
        %dma_wait3A_600 = arith.constant 0 : i32
        %dma_wait3A_601 = arith.constant 0 : i32
        %dma_wait3A_602 = tpu.memref_slice %arg7[%dma_wait3A_595, %dma_wait3A_599, %dma_wait3A_596, %dma_wait3A_600, %dma_wait3A_601] : memref<2x4x4x8x131xf32, #tpu.memory_space<vmem>> -> memref<1x4x1x8x128xf32, #tpu.memory_space<vmem>>
        %dma_wait3A_603 = tpu.memref_squeeze %dma_wait3A_602 : memref<1x4x1x8x128xf32, #tpu.memory_space<vmem>> -> memref<4x8x128xf32, #tpu.memory_space<vmem>>
        %dma_wait3A_604 = arith.constant 0 : i32
        %dma_wait3A_605 = arith.constant 0 : i32
        %dma_wait3A_606 = arith.constant 0 : i32
        %dma_wait3A_607 = tpu.memref_slice %arg4[%dma_wait3A_597, %dma_wait3A_598, %dma_wait3A_604, %dma_wait3A_605, %dma_wait3A_606] : memref<26x4x128x8x128xf32, #tpu.memory_space<hbm>> -> memref<1x1x4x8x128xf32, #tpu.memory_space<hbm>>
        %dma_wait3A_608 = tpu.memref_squeeze %dma_wait3A_607 : memref<1x1x4x8x128xf32, #tpu.memory_space<hbm>> -> memref<4x8x128xf32, #tpu.memory_space<hbm>>
        %dma_wait3A_609 = arith.constant 0 : i32
        %dma_wait3A_610 = arith.constant 0 : i32
        %dma_wait3A_611 = arith.constant 0 : i32
        %dma_wait3A_612 = tpu.memref_slice %arg4[%dma_wait3A_597, %dma_wait3A_598, %dma_wait3A_609, %dma_wait3A_610, %dma_wait3A_611] : memref<26x4x128x8x128xf32, #tpu.memory_space<hbm>> -> memref<1x1x4x8x128xf32, #tpu.memory_space<hbm>>
        %dma_wait3A_613 = tpu.memref_squeeze %dma_wait3A_612 : memref<1x1x4x8x128xf32, #tpu.memory_space<hbm>> -> memref<4x8x128xf32, #tpu.memory_space<hbm>>
        %dma_wait3A_614 = arith.constant 0 : i32
        %dma_wait3A_615 = arith.constant 0 : i32
        %dma_wait3A_616 = arith.constant 0 : i32
        %dma_wait3A_617 = tpu.memref_slice %arg7[%dma_wait3A_595, %dma_wait3A_614, %dma_wait3A_596, %dma_wait3A_615, %dma_wait3A_616] : memref<2x4x4x8x131xf32, #tpu.memory_space<vmem>> -> memref<1x4x1x8x128xf32, #tpu.memory_space<vmem>>
        %dma_wait3A_618 = tpu.memref_squeeze %dma_wait3A_617 : memref<1x4x1x8x128xf32, #tpu.memory_space<vmem>> -> memref<4x8x128xf32, #tpu.memory_space<vmem>>
        tpu.wait_dma2 semaphore(%arg11 : memref<!tpu.dma_semaphore, #tpu.memory_space<semaphore_mem>>) src(%dma_wait3A_618 : memref<4x8x128xf32, #tpu.memory_space<vmem>>) dst(%dma_wait3A_613 : memref<4x8x128xf32, #tpu.memory_space<hbm>>)
        %dma_wait3A_619 = arith.constant 1 : i32
        %dma_wait3A_620 = arith.constant 1 : i32
        %dma_wait3A_621 = arith.constant 0 : i32
        %dma_wait3A_622 = arith.constant 0 : i32
        %dma_wait3A_623 = arith.constant 0 : i32
        %dma_wait3A_624 = arith.constant 0 : i32
        %dma_wait3A_625 = arith.constant 0 : i32
        %dma_wait3A_626 = tpu.memref_slice %arg7[%dma_wait3A_619, %dma_wait3A_623, %dma_wait3A_620, %dma_wait3A_624, %dma_wait3A_625] : memref<2x4x4x8x131xf32, #tpu.memory_space<vmem>> -> memref<1x4x1x8x128xf32, #tpu.memory_space<vmem>>
        %dma_wait3A_627 = tpu.memref_squeeze %dma_wait3A_626 : memref<1x4x1x8x128xf32, #tpu.memory_space<vmem>> -> memref<4x8x128xf32, #tpu.memory_space<vmem>>
        %dma_wait3A_628 = arith.constant 0 : i32
        %dma_wait3A_629 = arith.constant 0 : i32
        %dma_wait3A_630 = arith.constant 0 : i32
        %dma_wait3A_631 = tpu.memref_slice %arg4[%dma_wait3A_621, %dma_wait3A_622, %dma_wait3A_628, %dma_wait3A_629, %dma_wait3A_630] : memref<26x4x128x8x128xf32, #tpu.memory_space<hbm>> -> memref<1x1x4x8x128xf32, #tpu.memory_space<hbm>>
        %dma_wait3A_632 = tpu.memref_squeeze %dma_wait3A_631 : memref<1x1x4x8x128xf32, #tpu.memory_space<hbm>> -> memref<4x8x128xf32, #tpu.memory_space<hbm>>
        %dma_wait3A_633 = arith.constant 0 : i32
        %dma_wait3A_634 = arith.constant 0 : i32
        %dma_wait3A_635 = arith.constant 0 : i32
        %dma_wait3A_636 = tpu.memref_slice %arg4[%dma_wait3A_621, %dma_wait3A_622, %dma_wait3A_633, %dma_wait3A_634, %dma_wait3A_635] : memref<26x4x128x8x128xf32, #tpu.memory_space<hbm>> -> memref<1x1x4x8x128xf32, #tpu.memory_space<hbm>>
        %dma_wait3A_637 = tpu.memref_squeeze %dma_wait3A_636 : memref<1x1x4x8x128xf32, #tpu.memory_space<hbm>> -> memref<4x8x128xf32, #tpu.memory_space<hbm>>
        %dma_wait3A_638 = arith.constant 0 : i32
        %dma_wait3A_639 = arith.constant 0 : i32
        %dma_wait3A_640 = arith.constant 0 : i32
        %dma_wait3A_641 = tpu.memref_slice %arg7[%dma_wait3A_619, %dma_wait3A_638, %dma_wait3A_620, %dma_wait3A_639, %dma_wait3A_640] : memref<2x4x4x8x131xf32, #tpu.memory_space<vmem>> -> memref<1x4x1x8x128xf32, #tpu.memory_space<vmem>>
        %dma_wait3A_642 = tpu.memref_squeeze %dma_wait3A_641 : memref<1x4x1x8x128xf32, #tpu.memory_space<vmem>> -> memref<4x8x128xf32, #tpu.memory_space<vmem>>
        tpu.wait_dma2 semaphore(%arg11 : memref<!tpu.dma_semaphore, #tpu.memory_space<semaphore_mem>>) src(%dma_wait3A_642 : memref<4x8x128xf32, #tpu.memory_space<vmem>>) dst(%dma_wait3A_637 : memref<4x8x128xf32, #tpu.memory_space<hbm>>)
        %dma_wait3A_643 = arith.constant 1 : i32
        %dma_wait3A_644 = arith.constant 2 : i32
        %dma_wait3A_645 = arith.constant 0 : i32
        %dma_wait3A_646 = arith.constant 0 : i32
        %dma_wait3A_647 = arith.constant 0 : i32
        %dma_wait3A_648 = arith.constant 0 : i32
        %dma_wait3A_649 = arith.constant 0 : i32
        %dma_wait3A_650 = tpu.memref_slice %arg7[%dma_wait3A_643, %dma_wait3A_647, %dma_wait3A_644, %dma_wait3A_648, %dma_wait3A_649] : memref<2x4x4x8x131xf32, #tpu.memory_space<vmem>> -> memref<1x4x1x8x128xf32, #tpu.memory_space<vmem>>
        %dma_wait3A_651 = tpu.memref_squeeze %dma_wait3A_650 : memref<1x4x1x8x128xf32, #tpu.memory_space<vmem>> -> memref<4x8x128xf32, #tpu.memory_space<vmem>>
        %dma_wait3A_652 = arith.constant 0 : i32
        %dma_wait3A_653 = arith.constant 0 : i32
        %dma_wait3A_654 = arith.constant 0 : i32
        %dma_wait3A_655 = tpu.memref_slice %arg4[%dma_wait3A_645, %dma_wait3A_646, %dma_wait3A_652, %dma_wait3A_653, %dma_wait3A_654] : memref<26x4x128x8x128xf32, #tpu.memory_space<hbm>> -> memref<1x1x4x8x128xf32, #tpu.memory_space<hbm>>
        %dma_wait3A_656 = tpu.memref_squeeze %dma_wait3A_655 : memref<1x1x4x8x128xf32, #tpu.memory_space<hbm>> -> memref<4x8x128xf32, #tpu.memory_space<hbm>>
        %dma_wait3A_657 = arith.constant 0 : i32
        %dma_wait3A_658 = arith.constant 0 : i32
        %dma_wait3A_659 = arith.constant 0 : i32
        %dma_wait3A_660 = tpu.memref_slice %arg4[%dma_wait3A_645, %dma_wait3A_646, %dma_wait3A_657, %dma_wait3A_658, %dma_wait3A_659] : memref<26x4x128x8x128xf32, #tpu.memory_space<hbm>> -> memref<1x1x4x8x128xf32, #tpu.memory_space<hbm>>
        %dma_wait3A_661 = tpu.memref_squeeze %dma_wait3A_660 : memref<1x1x4x8x128xf32, #tpu.memory_space<hbm>> -> memref<4x8x128xf32, #tpu.memory_space<hbm>>
        %dma_wait3A_662 = arith.constant 0 : i32
        %dma_wait3A_663 = arith.constant 0 : i32
        %dma_wait3A_664 = arith.constant 0 : i32
        %dma_wait3A_665 = tpu.memref_slice %arg7[%dma_wait3A_643, %dma_wait3A_662, %dma_wait3A_644, %dma_wait3A_663, %dma_wait3A_664] : memref<2x4x4x8x131xf32, #tpu.memory_space<vmem>> -> memref<1x4x1x8x128xf32, #tpu.memory_space<vmem>>
        %dma_wait3A_666 = tpu.memref_squeeze %dma_wait3A_665 : memref<1x4x1x8x128xf32, #tpu.memory_space<vmem>> -> memref<4x8x128xf32, #tpu.memory_space<vmem>>
        tpu.wait_dma2 semaphore(%arg11 : memref<!tpu.dma_semaphore, #tpu.memory_space<semaphore_mem>>) src(%dma_wait3A_666 : memref<4x8x128xf32, #tpu.memory_space<vmem>>) dst(%dma_wait3A_661 : memref<4x8x128xf32, #tpu.memory_space<hbm>>)
        %dma_wait3A_667 = arith.constant 1 : i32
        %dma_wait3A_668 = arith.constant 3 : i32
        %dma_wait3A_669 = arith.constant 0 : i32
        %dma_wait3A_670 = arith.constant 0 : i32
        %dma_wait3A_671 = arith.constant 0 : i32
        %dma_wait3A_672 = arith.constant 0 : i32
        %dma_wait3A_673 = arith.constant 0 : i32
        %dma_wait3A_674 = tpu.memref_slice %arg7[%dma_wait3A_667, %dma_wait3A_671, %dma_wait3A_668, %dma_wait3A_672, %dma_wait3A_673] : memref<2x4x4x8x131xf32, #tpu.memory_space<vmem>> -> memref<1x4x1x8x128xf32, #tpu.memory_space<vmem>>
        %dma_wait3A_675 = tpu.memref_squeeze %dma_wait3A_674 : memref<1x4x1x8x128xf32, #tpu.memory_space<vmem>> -> memref<4x8x128xf32, #tpu.memory_space<vmem>>
        %dma_wait3A_676 = arith.constant 0 : i32
        %dma_wait3A_677 = arith.constant 0 : i32
        %dma_wait3A_678 = arith.constant 0 : i32
        %dma_wait3A_679 = tpu.memref_slice %arg4[%dma_wait3A_669, %dma_wait3A_670, %dma_wait3A_676, %dma_wait3A_677, %dma_wait3A_678] : memref<26x4x128x8x128xf32, #tpu.memory_space<hbm>> -> memref<1x1x4x8x128xf32, #tpu.memory_space<hbm>>
        %dma_wait3A_680 = tpu.memref_squeeze %dma_wait3A_679 : memref<1x1x4x8x128xf32, #tpu.memory_space<hbm>> -> memref<4x8x128xf32, #tpu.memory_space<hbm>>
        %dma_wait3A_681 = arith.constant 0 : i32
        %dma_wait3A_682 = arith.constant 0 : i32
        %dma_wait3A_683 = arith.constant 0 : i32
        %dma_wait3A_684 = tpu.memref_slice %arg4[%dma_wait3A_669, %dma_wait3A_670, %dma_wait3A_681, %dma_wait3A_682, %dma_wait3A_683] : memref<26x4x128x8x128xf32, #tpu.memory_space<hbm>> -> memref<1x1x4x8x128xf32, #tpu.memory_space<hbm>>
        %dma_wait3A_685 = tpu.memref_squeeze %dma_wait3A_684 : memref<1x1x4x8x128xf32, #tpu.memory_space<hbm>> -> memref<4x8x128xf32, #tpu.memory_space<hbm>>
        %dma_wait3A_686 = arith.constant 0 : i32
        %dma_wait3A_687 = arith.constant 0 : i32
        %dma_wait3A_688 = arith.constant 0 : i32
        %dma_wait3A_689 = tpu.memref_slice %arg7[%dma_wait3A_667, %dma_wait3A_686, %dma_wait3A_668, %dma_wait3A_687, %dma_wait3A_688] : memref<2x4x4x8x131xf32, #tpu.memory_space<vmem>> -> memref<1x4x1x8x128xf32, #tpu.memory_space<vmem>>
        %dma_wait3A_690 = tpu.memref_squeeze %dma_wait3A_689 : memref<1x4x1x8x128xf32, #tpu.memory_space<vmem>> -> memref<4x8x128xf32, #tpu.memory_space<vmem>>
        tpu.wait_dma2 semaphore(%arg11 : memref<!tpu.dma_semaphore, #tpu.memory_space<semaphore_mem>>) src(%dma_wait3A_690 : memref<4x8x128xf32, #tpu.memory_space<vmem>>) dst(%dma_wait3A_685 : memref<4x8x128xf32, #tpu.memory_space<hbm>>)
      } else {
      }
      %add3A_455 = arith.constant 0 : i32
      %add3A_456 = vector.broadcast %add3A_455 : i32 to vector<16xi32>
      %add3A_457 = arith.addi %select_n3A, %add3A_456 : vector<16xi32>
      %add3A_458 = arith.constant 2 : i32
      %add3A_459 = vector.broadcast %add3A_458 : i32 to vector<16xi32>
      %add3A_460 = arith.addi %select_n3A, %add3A_459 : vector<16xi32>
      %scan3A_461 = arith.constant 0 : i32
      %scan3A_462 = arith.constant 1 : i32
      %scan3A_463 = arith.constant 1 : i32
      %scan3A_464 = arith.constant 0 : i32
      %scan3A_465 = arith.constant 128 : i32
      %scan3A_466 = arith.addi %scan3A_464, %scan3A_465 : i32
      %scan3A_467 = arith.constant 1 : i32
      scf.for %scan3A_595 = %scan3A_464 to %scan3A_466 step %scan3A_467  : i32 {
        %mul3A_596 = arith.constant 4 : i32
        %mul3A_597 = arith.muli %scan3A_595, %mul3A_596 : i32
        %jit3A_598 = arith.constant 128 : i32
        %div3A_599 = arith.divsi %mul3A_597, %jit3A_598 : i32
        %sign3A_600 = arith.constant 0 : i32
        %sign3A_601 = arith.cmpi sgt, %mul3A_597, %sign3A_600 : i32
        %sign3A_602 = arith.extui %sign3A_601 : i1 to i32
        %sign3A_603 = arith.constant 0 : i32
        %sign3A_604 = arith.cmpi slt, %mul3A_597, %sign3A_603 : i32
        %sign3A_605 = arith.extui %sign3A_604 : i1 to i32
        %sign3A_606 = arith.subi %sign3A_602, %sign3A_605 : i32
        %sign3A_607 = arith.constant 0 : i32
        %sign3A_608 = arith.cmpi sgt, %jit3A_598, %sign3A_607 : i32
        %sign3A_609 = arith.extui %sign3A_608 : i1 to i32
        %sign3A_610 = arith.constant 0 : i32
        %sign3A_611 = arith.cmpi slt, %jit3A_598, %sign3A_610 : i32
        %sign3A_612 = arith.extui %sign3A_611 : i1 to i32
        %sign3A_613 = arith.subi %sign3A_609, %sign3A_612 : i32
        %ne3A_614 = arith.cmpi ne, %sign3A_606, %sign3A_613 : i32
        %rem3A_615 = arith.remsi %mul3A_597, %jit3A_598 : i32
        %ne3A_616 = arith.constant 0 : i32
        %ne3A_617 = arith.cmpi ne, %rem3A_615, %ne3A_616 : i32
        %and3A_618 = arith.andi %ne3A_614, %ne3A_617 : i1
        %sub3A_619 = arith.constant 1 : i32
        %sub3A_620 = arith.subi %div3A_599, %sub3A_619 : i32
        %select_n3A_621 = arith.select %and3A_618, %sub3A_620, %div3A_599 : i32
        %broadcast_in_dim3A = vector.broadcast %select_n3A_621 : i32 to vector<16xi32>
        %rem3A_622 = arith.constant 128 : i32
        %rem3A_623 = arith.remsi %mul3A_597, %rem3A_622 : i32
        %broadcast_in_dim3A_624 = vector.broadcast %rem3A_623 : i32 to vector<16xi32>
        %add3A_625 = arith.constant 0 : i32
        %add3A_626 = arith.addi %mul3A_597, %add3A_625 : i32
        %get3A = arith.constant 0 : i32
        %get3A_627 = arith.constant 0 : i32
        %get3A_628 = tpu.memref_slice %arg6[%scan3A_462, %get3A, %get3A_627] : memref<2x512x32xf32, #tpu.memory_space<vmem>> -> memref<1x512x32xf32, #tpu.memory_space<vmem>>
        %get3A_629 = tpu.memref_squeeze %get3A_628 : memref<1x512x32xf32, #tpu.memory_space<vmem>> -> memref<512x32xf32, #tpu.memory_space<vmem>>
        %get3A_630 = arith.index_cast %add3A_626 : i32 to index
        %get3A_631 = arith.constant 0 : index
        %get3A_632 = tpu.vector_load %get3A_629[%get3A_630, %get3A_631] {strides = array<i32>} : memref<512x32xf32, #tpu.memory_space<vmem>>, vector<16xf32>,
        %scatter3A = arith.constant 0 : i32
        %scatter3A_633 = arith.constant 0 : i32
        %scatter3A_634 = arith.constant 0 : i32
        %scatter3A_635 = arith.constant 0 : i32
        %scatter3A_636 = tpu.memref_slice %arg7[%scan3A_463, %scatter3A, %scatter3A_633, %scatter3A_634, %scatter3A_635] : memref<2x4x4x8x131xf32, #tpu.memory_space<vmem>> -> memref<1x4x4x8x131xf32, #tpu.memory_space<vmem>>
        %scatter3A_637 = tpu.memref_squeeze %scatter3A_636 : memref<1x4x4x8x131xf32, #tpu.memory_space<vmem>> -> memref<4x4x8x131xf32, #tpu.memory_space<vmem>>
        tpu.vector_store_idx %scatter3A_637[%broadcast_in_dim3A, %add3A_457, %rem3A_30, %broadcast_in_dim3A_624], %get3A_632 : memref<4x4x8x131xf32, #tpu.memory_space<vmem>>[vector<16xi32>, vector<16xi32>, vector<16xi32>, vector<16xi32>], vector<16xf32>,
        %get3A_638 = arith.constant 0 : i32
        %get3A_639 = arith.constant 0 : i32
        %get3A_640 = tpu.memref_slice %arg6[%scan3A_462, %get3A_638, %get3A_639] : memref<2x512x32xf32, #tpu.memory_space<vmem>> -> memref<1x512x32xf32, #tpu.memory_space<vmem>>
        %get3A_641 = tpu.memref_squeeze %get3A_640 : memref<1x512x32xf32, #tpu.memory_space<vmem>> -> memref<512x32xf32, #tpu.memory_space<vmem>>
        %get3A_642 = arith.index_cast %add3A_626 : i32 to index
        %get3A_643 = arith.constant 16 : index
        %get3A_644 = tpu.vector_load %get3A_641[%get3A_642, %get3A_643] {strides = array<i32>} : memref<512x32xf32, #tpu.memory_space<vmem>>, vector<16xf32>,
        %scatter3A_645 = arith.constant 0 : i32
        %scatter3A_646 = arith.constant 0 : i32
        %scatter3A_647 = arith.constant 0 : i32
        %scatter3A_648 = arith.constant 0 : i32
        %scatter3A_649 = tpu.memref_slice %arg7[%scan3A_463, %scatter3A_645, %scatter3A_646, %scatter3A_647, %scatter3A_648] : memref<2x4x4x8x131xf32, #tpu.memory_space<vmem>> -> memref<1x4x4x8x131xf32, #tpu.memory_space<vmem>>
        %scatter3A_650 = tpu.memref_squeeze %scatter3A_649 : memref<1x4x4x8x131xf32, #tpu.memory_space<vmem>> -> memref<4x4x8x131xf32, #tpu.memory_space<vmem>>
        tpu.vector_store_idx %scatter3A_650[%broadcast_in_dim3A, %add3A_460, %rem3A_30, %broadcast_in_dim3A_624], %get3A_644 : memref<4x4x8x131xf32, #tpu.memory_space<vmem>>[vector<16xi32>, vector<16xi32>, vector<16xi32>, vector<16xi32>], vector<16xf32>,
        %add3A_651 = arith.constant 1 : i32
        %add3A_652 = arith.addi %mul3A_597, %add3A_651 : i32
        %add3A_653 = arith.constant 1 : i32
        %add3A_654 = vector.broadcast %add3A_653 : i32 to vector<16xi32>
        %add3A_655 = arith.addi %broadcast_in_dim3A_624, %add3A_654 : vector<16xi32>
        %get3A_656 = arith.constant 0 : i32
        %get3A_657 = arith.constant 0 : i32
        %get3A_658 = tpu.memref_slice %arg6[%scan3A_462, %get3A_656, %get3A_657] : memref<2x512x32xf32, #tpu.memory_space<vmem>> -> memref<1x512x32xf32, #tpu.memory_space<vmem>>
        %get3A_659 = tpu.memref_squeeze %get3A_658 : memref<1x512x32xf32, #tpu.memory_space<vmem>> -> memref<512x32xf32, #tpu.memory_space<vmem>>
        %get3A_660 = arith.index_cast %add3A_652 : i32 to index
        %get3A_661 = arith.constant 0 : index
        %get3A_662 = tpu.vector_load %get3A_659[%get3A_660, %get3A_661] {strides = array<i32>} : memref<512x32xf32, #tpu.memory_space<vmem>>, vector<16xf32>,
        %scatter3A_663 = arith.constant 0 : i32
        %scatter3A_664 = arith.constant 0 : i32
        %scatter3A_665 = arith.constant 0 : i32
        %scatter3A_666 = arith.constant 0 : i32
        %scatter3A_667 = tpu.memref_slice %arg7[%scan3A_463, %scatter3A_663, %scatter3A_664, %scatter3A_665, %scatter3A_666] : memref<2x4x4x8x131xf32, #tpu.memory_space<vmem>> -> memref<1x4x4x8x131xf32, #tpu.memory_space<vmem>>
        %scatter3A_668 = tpu.memref_squeeze %scatter3A_667 : memref<1x4x4x8x131xf32, #tpu.memory_space<vmem>> -> memref<4x4x8x131xf32, #tpu.memory_space<vmem>>
        tpu.vector_store_idx %scatter3A_668[%broadcast_in_dim3A, %add3A_457, %rem3A_30, %add3A_655], %get3A_662 : memref<4x4x8x131xf32, #tpu.memory_space<vmem>>[vector<16xi32>, vector<16xi32>, vector<16xi32>, vector<16xi32>], vector<16xf32>,
        %get3A_669 = arith.constant 0 : i32
        %get3A_670 = arith.constant 0 : i32
        %get3A_671 = tpu.memref_slice %arg6[%scan3A_462, %get3A_669, %get3A_670] : memref<2x512x32xf32, #tpu.memory_space<vmem>> -> memref<1x512x32xf32, #tpu.memory_space<vmem>>
        %get3A_672 = tpu.memref_squeeze %get3A_671 : memref<1x512x32xf32, #tpu.memory_space<vmem>> -> memref<512x32xf32, #tpu.memory_space<vmem>>
        %get3A_673 = arith.index_cast %add3A_652 : i32 to index
        %get3A_674 = arith.constant 16 : index
        %get3A_675 = tpu.vector_load %get3A_672[%get3A_673, %get3A_674] {strides = array<i32>} : memref<512x32xf32, #tpu.memory_space<vmem>>, vector<16xf32>,
        %scatter3A_676 = arith.constant 0 : i32
        %scatter3A_677 = arith.constant 0 : i32
        %scatter3A_678 = arith.constant 0 : i32
        %scatter3A_679 = arith.constant 0 : i32
        %scatter3A_680 = tpu.memref_slice %arg7[%scan3A_463, %scatter3A_676, %scatter3A_677, %scatter3A_678, %scatter3A_679] : memref<2x4x4x8x131xf32, #tpu.memory_space<vmem>> -> memref<1x4x4x8x131xf32, #tpu.memory_space<vmem>>
        %scatter3A_681 = tpu.memref_squeeze %scatter3A_680 : memref<1x4x4x8x131xf32, #tpu.memory_space<vmem>> -> memref<4x4x8x131xf32, #tpu.memory_space<vmem>>
        tpu.vector_store_idx %scatter3A_681[%broadcast_in_dim3A, %add3A_460, %rem3A_30, %add3A_655], %get3A_675 : memref<4x4x8x131xf32, #tpu.memory_space<vmem>>[vector<16xi32>, vector<16xi32>, vector<16xi32>, vector<16xi32>], vector<16xf32>,
        %add3A_682 = arith.constant 2 : i32
        %add3A_683 = arith.addi %mul3A_597, %add3A_682 : i32
        %add3A_684 = arith.constant 2 : i32
        %add3A_685 = vector.broadcast %add3A_684 : i32 to vector<16xi32>
        %add3A_686 = arith.addi %broadcast_in_dim3A_624, %add3A_685 : vector<16xi32>
        %get3A_687 = arith.constant 0 : i32
        %get3A_688 = arith.constant 0 : i32
        %get3A_689 = tpu.memref_slice %arg6[%scan3A_462, %get3A_687, %get3A_688] : memref<2x512x32xf32, #tpu.memory_space<vmem>> -> memref<1x512x32xf32, #tpu.memory_space<vmem>>
        %get3A_690 = tpu.memref_squeeze %get3A_689 : memref<1x512x32xf32, #tpu.memory_space<vmem>> -> memref<512x32xf32, #tpu.memory_space<vmem>>
        %get3A_691 = arith.index_cast %add3A_683 : i32 to index
        %get3A_692 = arith.constant 0 : index
        %get3A_693 = tpu.vector_load %get3A_690[%get3A_691, %get3A_692] {strides = array<i32>} : memref<512x32xf32, #tpu.memory_space<vmem>>, vector<16xf32>,
        %scatter3A_694 = arith.constant 0 : i32
        %scatter3A_695 = arith.constant 0 : i32
        %scatter3A_696 = arith.constant 0 : i32
        %scatter3A_697 = arith.constant 0 : i32
        %scatter3A_698 = tpu.memref_slice %arg7[%scan3A_463, %scatter3A_694, %scatter3A_695, %scatter3A_696, %scatter3A_697] : memref<2x4x4x8x131xf32, #tpu.memory_space<vmem>> -> memref<1x4x4x8x131xf32, #tpu.memory_space<vmem>>
        %scatter3A_699 = tpu.memref_squeeze %scatter3A_698 : memref<1x4x4x8x131xf32, #tpu.memory_space<vmem>> -> memref<4x4x8x131xf32, #tpu.memory_space<vmem>>
        tpu.vector_store_idx %scatter3A_699[%broadcast_in_dim3A, %add3A_457, %rem3A_30, %add3A_686], %get3A_693 : memref<4x4x8x131xf32, #tpu.memory_space<vmem>>[vector<16xi32>, vector<16xi32>, vector<16xi32>, vector<16xi32>], vector<16xf32>,
        %get3A_700 = arith.constant 0 : i32
        %get3A_701 = arith.constant 0 : i32
        %get3A_702 = tpu.memref_slice %arg6[%scan3A_462, %get3A_700, %get3A_701] : memref<2x512x32xf32, #tpu.memory_space<vmem>> -> memref<1x512x32xf32, #tpu.memory_space<vmem>>
        %get3A_703 = tpu.memref_squeeze %get3A_702 : memref<1x512x32xf32, #tpu.memory_space<vmem>> -> memref<512x32xf32, #tpu.memory_space<vmem>>
        %get3A_704 = arith.index_cast %add3A_683 : i32 to index
        %get3A_705 = arith.constant 16 : index
        %get3A_706 = tpu.vector_load %get3A_703[%get3A_704, %get3A_705] {strides = array<i32>} : memref<512x32xf32, #tpu.memory_space<vmem>>, vector<16xf32>,
        %scatter3A_707 = arith.constant 0 : i32
        %scatter3A_708 = arith.constant 0 : i32
        %scatter3A_709 = arith.constant 0 : i32
        %scatter3A_710 = arith.constant 0 : i32
        %scatter3A_711 = tpu.memref_slice %arg7[%scan3A_463, %scatter3A_707, %scatter3A_708, %scatter3A_709, %scatter3A_710] : memref<2x4x4x8x131xf32, #tpu.memory_space<vmem>> -> memref<1x4x4x8x131xf32, #tpu.memory_space<vmem>>
        %scatter3A_712 = tpu.memref_squeeze %scatter3A_711 : memref<1x4x4x8x131xf32, #tpu.memory_space<vmem>> -> memref<4x4x8x131xf32, #tpu.memory_space<vmem>>
        tpu.vector_store_idx %scatter3A_712[%broadcast_in_dim3A, %add3A_460, %rem3A_30, %add3A_686], %get3A_706 : memref<4x4x8x131xf32, #tpu.memory_space<vmem>>[vector<16xi32>, vector<16xi32>, vector<16xi32>, vector<16xi32>], vector<16xf32>,
        %add3A_713 = arith.constant 3 : i32
        %add3A_714 = arith.addi %mul3A_597, %add3A_713 : i32
        %add3A_715 = arith.constant 3 : i32
        %add3A_716 = vector.broadcast %add3A_715 : i32 to vector<16xi32>
        %add3A_717 = arith.addi %broadcast_in_dim3A_624, %add3A_716 : vector<16xi32>
        %get3A_718 = arith.constant 0 : i32
        %get3A_719 = arith.constant 0 : i32
        %get3A_720 = tpu.memref_slice %arg6[%scan3A_462, %get3A_718, %get3A_719] : memref<2x512x32xf32, #tpu.memory_space<vmem>> -> memref<1x512x32xf32, #tpu.memory_space<vmem>>
        %get3A_721 = tpu.memref_squeeze %get3A_720 : memref<1x512x32xf32, #tpu.memory_space<vmem>> -> memref<512x32xf32, #tpu.memory_space<vmem>>
        %get3A_722 = arith.index_cast %add3A_714 : i32 to index
        %get3A_723 = arith.constant 0 : index
        %get3A_724 = tpu.vector_load %get3A_721[%get3A_722, %get3A_723] {strides = array<i32>} : memref<512x32xf32, #tpu.memory_space<vmem>>, vector<16xf32>,
        %scatter3A_725 = arith.constant 0 : i32
        %scatter3A_726 = arith.constant 0 : i32
        %scatter3A_727 = arith.constant 0 : i32
        %scatter3A_728 = arith.constant 0 : i32
        %scatter3A_729 = tpu.memref_slice %arg7[%scan3A_463, %scatter3A_725, %scatter3A_726, %scatter3A_727, %scatter3A_728] : memref<2x4x4x8x131xf32, #tpu.memory_space<vmem>> -> memref<1x4x4x8x131xf32, #tpu.memory_space<vmem>>
        %scatter3A_730 = tpu.memref_squeeze %scatter3A_729 : memref<1x4x4x8x131xf32, #tpu.memory_space<vmem>> -> memref<4x4x8x131xf32, #tpu.memory_space<vmem>>
        tpu.vector_store_idx %scatter3A_730[%broadcast_in_dim3A, %add3A_457, %rem3A_30, %add3A_717], %get3A_724 : memref<4x4x8x131xf32, #tpu.memory_space<vmem>>[vector<16xi32>, vector<16xi32>, vector<16xi32>, vector<16xi32>], vector<16xf32>,
        %get3A_731 = arith.constant 0 : i32
        %get3A_732 = arith.constant 0 : i32
        %get3A_733 = tpu.memref_slice %arg6[%scan3A_462, %get3A_731, %get3A_732] : memref<2x512x32xf32, #tpu.memory_space<vmem>> -> memref<1x512x32xf32, #tpu.memory_space<vmem>>
        %get3A_734 = tpu.memref_squeeze %get3A_733 : memref<1x512x32xf32, #tpu.memory_space<vmem>> -> memref<512x32xf32, #tpu.memory_space<vmem>>
        %get3A_735 = arith.index_cast %add3A_714 : i32 to index
        %get3A_736 = arith.constant 16 : index
        %get3A_737 = tpu.vector_load %get3A_734[%get3A_735, %get3A_736] {strides = array<i32>} : memref<512x32xf32, #tpu.memory_space<vmem>>, vector<16xf32>,
        %scatter3A_738 = arith.constant 0 : i32
        %scatter3A_739 = arith.constant 0 : i32
        %scatter3A_740 = arith.constant 0 : i32
        %scatter3A_741 = arith.constant 0 : i32
        %scatter3A_742 = tpu.memref_slice %arg7[%scan3A_463, %scatter3A_738, %scatter3A_739, %scatter3A_740, %scatter3A_741] : memref<2x4x4x8x131xf32, #tpu.memory_space<vmem>> -> memref<1x4x4x8x131xf32, #tpu.memory_space<vmem>>
        %scatter3A_743 = tpu.memref_squeeze %scatter3A_742 : memref<1x4x4x8x131xf32, #tpu.memory_space<vmem>> -> memref<4x4x8x131xf32, #tpu.memory_space<vmem>>
        tpu.vector_store_idx %scatter3A_743[%broadcast_in_dim3A, %add3A_460, %rem3A_30, %add3A_717], %get3A_737 : memref<4x4x8x131xf32, #tpu.memory_space<vmem>>[vector<16xi32>, vector<16xi32>, vector<16xi32>, vector<16xi32>], vector<16xf32>,
      }
      %scan3A_468 = arith.constant 128 : i32
      %add3A_469 = arith.constant 2 : i32
      %add3A_470 = arith.addi %add3A_434, %add3A_469 : i32
      %lt3A_471 = arith.constant 26 : i32
      %lt3A_472 = arith.cmpi slt, %add3A_470, %lt3A_471 : i32
      %convert_element_type3A_473 = arith.extui %lt3A_472 : i1 to i32
      %cond3A_474 = arith.constant 0 : i32
      %cond3A_475 = arith.cmpi ne, %convert_element_type3A_473, %cond3A_474 : i32
      scf.if %cond3A_475 {
        %add3A_595 = arith.constant 2 : i32
        %add3A_596 = arith.addi %add3A_434, %add3A_595 : i32
        %mul3A_597 = arith.constant 512 : i32
        %mul3A_598 = arith.muli %add3A_596, %mul3A_597 : i32
        %dma_start3A_599 = arith.constant 1 : i32
        %dma_start3A_600 = arith.constant 0 : i32
        %dma_start3A_601 = arith.constant 0 : i32
        %dma_start3A_602 = tpu.memref_slice %arg6[%dma_start3A_599, %dma_start3A_600, %dma_start3A_601] : memref<2x512x32xf32, #tpu.memory_space<vmem>> -> memref<1x512x32xf32, #tpu.memory_space<vmem>>
        %dma_start3A_603 = tpu.memref_squeeze %dma_start3A_602 : memref<1x512x32xf32, #tpu.memory_space<vmem>> -> memref<512x32xf32, #tpu.memory_space<vmem>>
        %dma_start3A_604 = tpu.memref_slice %arg5[%mul3A_598] : memref<13312xi32, #tpu.memory_space<vmem>> -> memref<512xi32, #tpu.memory_space<vmem>>
        %dma_start3A_605 = arith.constant 0 : i32
        %dma_start3A_606 = arith.constant 0 : i32
        %dma_start3A_607 = tpu.memref_slice %arg2[%dma_start3A_605, %dma_start3A_606] : memref<1000000x32xf32, #tpu.memory_space<hbm>> -> memref<1000000x32xf32, #tpu.memory_space<hbm>>
        tpu.enqueue_indirect_dma source(%dma_start3A_607 : memref<1000000x32xf32, #tpu.memory_space<hbm>>) target(%dma_start3A_603 : memref<512x32xf32, #tpu.memory_space<vmem>>) offsets(%dma_start3A_604 : memref<512xi32, #tpu.memory_space<vmem>>) semaphore(%arg9 : memref<!tpu.dma_semaphore, #tpu.memory_space<semaphore_mem>>)
      } else {
      }
      %add3A_476 = arith.addi %mul3A_28, %add3A_434 : i32
      %jit3A_477 = arith.constant 32 : i32
      %div3A_478 = arith.divsi %add3A_476, %jit3A_477 : i32
      %sign3A_479 = arith.constant 0 : i32
      %sign3A_480 = arith.cmpi sgt, %add3A_476, %sign3A_479 : i32
      %sign3A_481 = arith.extui %sign3A_480 : i1 to i32
      %sign3A_482 = arith.constant 0 : i32
      %sign3A_483 = arith.cmpi slt, %add3A_476, %sign3A_482 : i32
      %sign3A_484 = arith.extui %sign3A_483 : i1 to i32
      %sign3A_485 = arith.subi %sign3A_481, %sign3A_484 : i32
      %sign3A_486 = arith.constant 0 : i32
      %sign3A_487 = arith.cmpi sgt, %jit3A_477, %sign3A_486 : i32
      %sign3A_488 = arith.extui %sign3A_487 : i1 to i32
      %sign3A_489 = arith.constant 0 : i32
      %sign3A_490 = arith.cmpi slt, %jit3A_477, %sign3A_489 : i32
      %sign3A_491 = arith.extui %sign3A_490 : i1 to i32
      %sign3A_492 = arith.subi %sign3A_488, %sign3A_491 : i32
      %ne3A_493 = arith.cmpi ne, %sign3A_485, %sign3A_492 : i32
      %rem3A_494 = arith.remsi %add3A_476, %jit3A_477 : i32
      %ne3A_495 = arith.constant 0 : i32
      %ne3A_496 = arith.cmpi ne, %rem3A_494, %ne3A_495 : i32
      %and3A_497 = arith.andi %ne3A_493, %ne3A_496 : i1
      %sub3A_498 = arith.constant 1 : i32
      %sub3A_499 = arith.subi %div3A_478, %sub3A_498 : i32
      %select_n3A_500 = arith.select %and3A_497, %sub3A_499, %div3A_478 : i32
      %rem3A_501 = arith.constant 32 : i32
      %rem3A_502 = arith.remsi %add3A_476, %rem3A_501 : i32
      %mul3A_503 = arith.constant 4 : i32
      %mul3A_504 = arith.muli %rem3A_502, %mul3A_503 : i32
      %dma_start3A_505 = arith.constant 1 : i32
      %dma_start3A_506 = arith.constant 0 : i32
      %dma_start3A_507 = arith.constant 0 : i32
      %dma_start3A_508 = arith.constant 0 : i32
      %dma_start3A_509 = arith.constant 0 : i32
      %dma_start3A_510 = arith.constant 0 : i32
      %dma_start3A_511 = tpu.memref_slice %arg7[%dma_start3A_505, %dma_start3A_508, %dma_start3A_506, %dma_start3A_509, %dma_start3A_510] : memref<2x4x4x8x131xf32, #tpu.memory_space<vmem>> -> memref<1x4x1x8x128xf32, #tpu.memory_space<vmem>>
      %dma_start3A_512 = tpu.memref_squeeze %dma_start3A_511 : memref<1x4x1x8x128xf32, #tpu.memory_space<vmem>> -> memref<4x8x128xf32, #tpu.memory_space<vmem>>
      %dma_start3A_513 = arith.constant 0 : i32
      %dma_start3A_514 = arith.constant 0 : i32
      %dma_start3A_515 = tpu.memref_slice %arg4[%select_n3A_500, %dma_start3A_507, %mul3A_504, %dma_start3A_513, %dma_start3A_514] : memref<26x4x128x8x128xf32, #tpu.memory_space<hbm>> -> memref<1x1x4x8x128xf32, #tpu.memory_space<hbm>>
      %dma_start3A_516 = tpu.memref_squeeze %dma_start3A_515 : memref<1x1x4x8x128xf32, #tpu.memory_space<hbm>> -> memref<4x8x128xf32, #tpu.memory_space<hbm>>
      %dma_start3A_517 = arith.constant 0 : i32
      %dma_start3A_518 = arith.constant 0 : i32
      %dma_start3A_519 = tpu.memref_slice %arg4[%select_n3A_500, %dma_start3A_507, %mul3A_504, %dma_start3A_517, %dma_start3A_518] : memref<26x4x128x8x128xf32, #tpu.memory_space<hbm>> -> memref<1x1x4x8x128xf32, #tpu.memory_space<hbm>>
      %dma_start3A_520 = tpu.memref_squeeze %dma_start3A_519 : memref<1x1x4x8x128xf32, #tpu.memory_space<hbm>> -> memref<4x8x128xf32, #tpu.memory_space<hbm>>
      %dma_start3A_521 = arith.constant 0 : i32
      %dma_start3A_522 = arith.constant 0 : i32
      %dma_start3A_523 = arith.constant 0 : i32
      %dma_start3A_524 = tpu.memref_slice %arg7[%dma_start3A_505, %dma_start3A_521, %dma_start3A_506, %dma_start3A_522, %dma_start3A_523] : memref<2x4x4x8x131xf32, #tpu.memory_space<vmem>> -> memref<1x4x1x8x128xf32, #tpu.memory_space<vmem>>
      %dma_start3A_525 = tpu.memref_squeeze %dma_start3A_524 : memref<1x4x1x8x128xf32, #tpu.memory_space<vmem>> -> memref<4x8x128xf32, #tpu.memory_space<vmem>>
      tpu.enqueue_dma source(%dma_start3A_525 : memref<4x8x128xf32, #tpu.memory_space<vmem>>) target(%dma_start3A_520 : memref<4x8x128xf32, #tpu.memory_space<hbm>>) target_semaphore(%arg11 : memref<!tpu.dma_semaphore, #tpu.memory_space<semaphore_mem>>)
      %mul3A_526 = arith.constant 4 : i32
      %mul3A_527 = arith.muli %rem3A_502, %mul3A_526 : i32
      %dma_start3A_528 = arith.constant 1 : i32
      %dma_start3A_529 = arith.constant 1 : i32
      %dma_start3A_530 = arith.constant 1 : i32
      %dma_start3A_531 = arith.constant 0 : i32
      %dma_start3A_532 = arith.constant 0 : i32
      %dma_start3A_533 = arith.constant 0 : i32
      %dma_start3A_534 = tpu.memref_slice %arg7[%dma_start3A_528, %dma_start3A_531, %dma_start3A_529, %dma_start3A_532, %dma_start3A_533] : memref<2x4x4x8x131xf32, #tpu.memory_space<vmem>> -> memref<1x4x1x8x128xf32, #tpu.memory_space<vmem>>
      %dma_start3A_535 = tpu.memref_squeeze %dma_start3A_534 : memref<1x4x1x8x128xf32, #tpu.memory_space<vmem>> -> memref<4x8x128xf32, #tpu.memory_space<vmem>>
      %dma_start3A_536 = arith.constant 0 : i32
      %dma_start3A_537 = arith.constant 0 : i32
      %dma_start3A_538 = tpu.memref_slice %arg4[%select_n3A_500, %dma_start3A_530, %mul3A_527, %dma_start3A_536, %dma_start3A_537] : memref<26x4x128x8x128xf32, #tpu.memory_space<hbm>> -> memref<1x1x4x8x128xf32, #tpu.memory_space<hbm>>
      %dma_start3A_539 = tpu.memref_squeeze %dma_start3A_538 : memref<1x1x4x8x128xf32, #tpu.memory_space<hbm>> -> memref<4x8x128xf32, #tpu.memory_space<hbm>>
      %dma_start3A_540 = arith.constant 0 : i32
      %dma_start3A_541 = arith.constant 0 : i32
      %dma_start3A_542 = tpu.memref_slice %arg4[%select_n3A_500, %dma_start3A_530, %mul3A_527, %dma_start3A_540, %dma_start3A_541] : memref<26x4x128x8x128xf32, #tpu.memory_space<hbm>> -> memref<1x1x4x8x128xf32, #tpu.memory_space<hbm>>
      %dma_start3A_543 = tpu.memref_squeeze %dma_start3A_542 : memref<1x1x4x8x128xf32, #tpu.memory_space<hbm>> -> memref<4x8x128xf32, #tpu.memory_space<hbm>>
      %dma_start3A_544 = arith.constant 0 : i32
      %dma_start3A_545 = arith.constant 0 : i32
      %dma_start3A_546 = arith.constant 0 : i32
      %dma_start3A_547 = tpu.memref_slice %arg7[%dma_start3A_528, %dma_start3A_544, %dma_start3A_529, %dma_start3A_545, %dma_start3A_546] : memref<2x4x4x8x131xf32, #tpu.memory_space<vmem>> -> memref<1x4x1x8x128xf32, #tpu.memory_space<vmem>>
      %dma_start3A_548 = tpu.memref_squeeze %dma_start3A_547 : memref<1x4x1x8x128xf32, #tpu.memory_space<vmem>> -> memref<4x8x128xf32, #tpu.memory_space<vmem>>
      tpu.enqueue_dma source(%dma_start3A_548 : memref<4x8x128xf32, #tpu.memory_space<vmem>>) target(%dma_start3A_543 : memref<4x8x128xf32, #tpu.memory_space<hbm>>) target_semaphore(%arg11 : memref<!tpu.dma_semaphore, #tpu.memory_space<semaphore_mem>>)
      %mul3A_549 = arith.constant 4 : i32
      %mul3A_550 = arith.muli %rem3A_502, %mul3A_549 : i32
      %dma_start3A_551 = arith.constant 1 : i32
      %dma_start3A_552 = arith.constant 2 : i32
      %dma_start3A_553 = arith.constant 2 : i32
      %dma_start3A_554 = arith.constant 0 : i32
      %dma_start3A_555 = arith.constant 0 : i32
      %dma_start3A_556 = arith.constant 0 : i32
      %dma_start3A_557 = tpu.memref_slice %arg7[%dma_start3A_551, %dma_start3A_554, %dma_start3A_552, %dma_start3A_555, %dma_start3A_556] : memref<2x4x4x8x131xf32, #tpu.memory_space<vmem>> -> memref<1x4x1x8x128xf32, #tpu.memory_space<vmem>>
      %dma_start3A_558 = tpu.memref_squeeze %dma_start3A_557 : memref<1x4x1x8x128xf32, #tpu.memory_space<vmem>> -> memref<4x8x128xf32, #tpu.memory_space<vmem>>
      %dma_start3A_559 = arith.constant 0 : i32
      %dma_start3A_560 = arith.constant 0 : i32
      %dma_start3A_561 = tpu.memref_slice %arg4[%select_n3A_500, %dma_start3A_553, %mul3A_550, %dma_start3A_559, %dma_start3A_560] : memref<26x4x128x8x128xf32, #tpu.memory_space<hbm>> -> memref<1x1x4x8x128xf32, #tpu.memory_space<hbm>>
      %dma_start3A_562 = tpu.memref_squeeze %dma_start3A_561 : memref<1x1x4x8x128xf32, #tpu.memory_space<hbm>> -> memref<4x8x128xf32, #tpu.memory_space<hbm>>
      %dma_start3A_563 = arith.constant 0 : i32
      %dma_start3A_564 = arith.constant 0 : i32
      %dma_start3A_565 = tpu.memref_slice %arg4[%select_n3A_500, %dma_start3A_553, %mul3A_550, %dma_start3A_563, %dma_start3A_564] : memref<26x4x128x8x128xf32, #tpu.memory_space<hbm>> -> memref<1x1x4x8x128xf32, #tpu.memory_space<hbm>>
      %dma_start3A_566 = tpu.memref_squeeze %dma_start3A_565 : memref<1x1x4x8x128xf32, #tpu.memory_space<hbm>> -> memref<4x8x128xf32, #tpu.memory_space<hbm>>
      %dma_start3A_567 = arith.constant 0 : i32
      %dma_start3A_568 = arith.constant 0 : i32
      %dma_start3A_569 = arith.constant 0 : i32
      %dma_start3A_570 = tpu.memref_slice %arg7[%dma_start3A_551, %dma_start3A_567, %dma_start3A_552, %dma_start3A_568, %dma_start3A_569] : memref<2x4x4x8x131xf32, #tpu.memory_space<vmem>> -> memref<1x4x1x8x128xf32, #tpu.memory_space<vmem>>
      %dma_start3A_571 = tpu.memref_squeeze %dma_start3A_570 : memref<1x4x1x8x128xf32, #tpu.memory_space<vmem>> -> memref<4x8x128xf32, #tpu.memory_space<vmem>>
      tpu.enqueue_dma source(%dma_start3A_571 : memref<4x8x128xf32, #tpu.memory_space<vmem>>) target(%dma_start3A_566 : memref<4x8x128xf32, #tpu.memory_space<hbm>>) target_semaphore(%arg11 : memref<!tpu.dma_semaphore, #tpu.memory_space<semaphore_mem>>)
      %mul3A_572 = arith.constant 4 : i32
      %mul3A_573 = arith.muli %rem3A_502, %mul3A_572 : i32
      %dma_start3A_574 = arith.constant 1 : i32
      %dma_start3A_575 = arith.constant 3 : i32
      %dma_start3A_576 = arith.constant 3 : i32
      %dma_start3A_577 = arith.constant 0 : i32
      %dma_start3A_578 = arith.constant 0 : i32
      %dma_start3A_579 = arith.constant 0 : i32
      %dma_start3A_580 = tpu.memref_slice %arg7[%dma_start3A_574, %dma_start3A_577, %dma_start3A_575, %dma_start3A_578, %dma_start3A_579] : memref<2x4x4x8x131xf32, #tpu.memory_space<vmem>> -> memref<1x4x1x8x128xf32, #tpu.memory_space<vmem>>
      %dma_start3A_581 = tpu.memref_squeeze %dma_start3A_580 : memref<1x4x1x8x128xf32, #tpu.memory_space<vmem>> -> memref<4x8x128xf32, #tpu.memory_space<vmem>>
      %dma_start3A_582 = arith.constant 0 : i32
      %dma_start3A_583 = arith.constant 0 : i32
      %dma_start3A_584 = tpu.memref_slice %arg4[%select_n3A_500, %dma_start3A_576, %mul3A_573, %dma_start3A_582, %dma_start3A_583] : memref<26x4x128x8x128xf32, #tpu.memory_space<hbm>> -> memref<1x1x4x8x128xf32, #tpu.memory_space<hbm>>
      %dma_start3A_585 = tpu.memref_squeeze %dma_start3A_584 : memref<1x1x4x8x128xf32, #tpu.memory_space<hbm>> -> memref<4x8x128xf32, #tpu.memory_space<hbm>>
      %dma_start3A_586 = arith.constant 0 : i32
      %dma_start3A_587 = arith.constant 0 : i32
      %dma_start3A_588 = tpu.memref_slice %arg4[%select_n3A_500, %dma_start3A_576, %mul3A_573, %dma_start3A_586, %dma_start3A_587] : memref<26x4x128x8x128xf32, #tpu.memory_space<hbm>> -> memref<1x1x4x8x128xf32, #tpu.memory_space<hbm>>
      %dma_start3A_589 = tpu.memref_squeeze %dma_start3A_588 : memref<1x1x4x8x128xf32, #tpu.memory_space<hbm>> -> memref<4x8x128xf32, #tpu.memory_space<hbm>>
      %dma_start3A_590 = arith.constant 0 : i32
      %dma_start3A_591 = arith.constant 0 : i32
      %dma_start3A_592 = arith.constant 0 : i32
      %dma_start3A_593 = tpu.memref_slice %arg7[%dma_start3A_574, %dma_start3A_590, %dma_start3A_575, %dma_start3A_591, %dma_start3A_592] : memref<2x4x4x8x131xf32, #tpu.memory_space<vmem>> -> memref<1x4x1x8x128xf32, #tpu.memory_space<vmem>>
      %dma_start3A_594 = tpu.memref_squeeze %dma_start3A_593 : memref<1x4x1x8x128xf32, #tpu.memory_space<vmem>> -> memref<4x8x128xf32, #tpu.memory_space<vmem>>
      tpu.enqueue_dma source(%dma_start3A_594 : memref<4x8x128xf32, #tpu.memory_space<vmem>>) target(%dma_start3A_589 : memref<4x8x128xf32, #tpu.memory_space<hbm>>) target_semaphore(%arg11 : memref<!tpu.dma_semaphore, #tpu.memory_space<semaphore_mem>>)
    }
    %scan3A_78 = arith.constant 13 : i32
    %dma_wait3A = arith.constant 0 : i32
    %dma_wait3A_79 = arith.constant 0 : i32
    %dma_wait3A_80 = arith.constant 0 : i32
    %dma_wait3A_81 = arith.constant 0 : i32
    %dma_wait3A_82 = arith.constant 0 : i32
    %dma_wait3A_83 = arith.constant 0 : i32
    %dma_wait3A_84 = arith.constant 0 : i32
    %dma_wait3A_85 = tpu.memref_slice %arg7[%dma_wait3A, %dma_wait3A_82, %dma_wait3A_79, %dma_wait3A_83, %dma_wait3A_84] : memref<2x4x4x8x131xf32, #tpu.memory_space<vmem>> -> memref<1x4x1x8x128xf32, #tpu.memory_space<vmem>>
    %dma_wait3A_86 = tpu.memref_squeeze %dma_wait3A_85 : memref<1x4x1x8x128xf32, #tpu.memory_space<vmem>> -> memref<4x8x128xf32, #tpu.memory_space<vmem>>
    %dma_wait3A_87 = arith.constant 0 : i32
    %dma_wait3A_88 = arith.constant 0 : i32
    %dma_wait3A_89 = arith.constant 0 : i32
    %dma_wait3A_90 = tpu.memref_slice %arg4[%dma_wait3A_80, %dma_wait3A_81, %dma_wait3A_87, %dma_wait3A_88, %dma_wait3A_89] : memref<26x4x128x8x128xf32, #tpu.memory_space<hbm>> -> memref<1x1x4x8x128xf32, #tpu.memory_space<hbm>>
    %dma_wait3A_91 = tpu.memref_squeeze %dma_wait3A_90 : memref<1x1x4x8x128xf32, #tpu.memory_space<hbm>> -> memref<4x8x128xf32, #tpu.memory_space<hbm>>
    %dma_wait3A_92 = arith.constant 0 : i32
    %dma_wait3A_93 = arith.constant 0 : i32
    %dma_wait3A_94 = arith.constant 0 : i32
    %dma_wait3A_95 = tpu.memref_slice %arg4[%dma_wait3A_80, %dma_wait3A_81, %dma_wait3A_92, %dma_wait3A_93, %dma_wait3A_94] : memref<26x4x128x8x128xf32, #tpu.memory_space<hbm>> -> memref<1x1x4x8x128xf32, #tpu.memory_space<hbm>>
    %dma_wait3A_96 = tpu.memref_squeeze %dma_wait3A_95 : memref<1x1x4x8x128xf32, #tpu.memory_space<hbm>> -> memref<4x8x128xf32, #tpu.memory_space<hbm>>
    %dma_wait3A_97 = arith.constant 0 : i32
    %dma_wait3A_98 = arith.constant 0 : i32
    %dma_wait3A_99 = arith.constant 0 : i32
    %dma_wait3A_100 = tpu.memref_slice %arg7[%dma_wait3A, %dma_wait3A_97, %dma_wait3A_79, %dma_wait3A_98, %dma_wait3A_99] : memref<2x4x4x8x131xf32, #tpu.memory_space<vmem>> -> memref<1x4x1x8x128xf32, #tpu.memory_space<vmem>>
    %dma_wait3A_101 = tpu.memref_squeeze %dma_wait3A_100 : memref<1x4x1x8x128xf32, #tpu.memory_space<vmem>> -> memref<4x8x128xf32, #tpu.memory_space<vmem>>
    tpu.wait_dma2 semaphore(%arg10 : memref<!tpu.dma_semaphore, #tpu.memory_space<semaphore_mem>>) src(%dma_wait3A_101 : memref<4x8x128xf32, #tpu.memory_space<vmem>>) dst(%dma_wait3A_96 : memref<4x8x128xf32, #tpu.memory_space<hbm>>)
    %dma_wait3A_102 = arith.constant 0 : i32
    %dma_wait3A_103 = arith.constant 1 : i32
    %dma_wait3A_104 = arith.constant 0 : i32
    %dma_wait3A_105 = arith.constant 0 : i32
    %dma_wait3A_106 = arith.constant 0 : i32
    %dma_wait3A_107 = arith.constant 0 : i32
    %dma_wait3A_108 = arith.constant 0 : i32
    %dma_wait3A_109 = tpu.memref_slice %arg7[%dma_wait3A_102, %dma_wait3A_106, %dma_wait3A_103, %dma_wait3A_107, %dma_wait3A_108] : memref<2x4x4x8x131xf32, #tpu.memory_space<vmem>> -> memref<1x4x1x8x128xf32, #tpu.memory_space<vmem>>
    %dma_wait3A_110 = tpu.memref_squeeze %dma_wait3A_109 : memref<1x4x1x8x128xf32, #tpu.memory_space<vmem>> -> memref<4x8x128xf32, #tpu.memory_space<vmem>>
    %dma_wait3A_111 = arith.constant 0 : i32
    %dma_wait3A_112 = arith.constant 0 : i32
    %dma_wait3A_113 = arith.constant 0 : i32
    %dma_wait3A_114 = tpu.memref_slice %arg4[%dma_wait3A_104, %dma_wait3A_105, %dma_wait3A_111, %dma_wait3A_112, %dma_wait3A_113] : memref<26x4x128x8x128xf32, #tpu.memory_space<hbm>> -> memref<1x1x4x8x128xf32, #tpu.memory_space<hbm>>
    %dma_wait3A_115 = tpu.memref_squeeze %dma_wait3A_114 : memref<1x1x4x8x128xf32, #tpu.memory_space<hbm>> -> memref<4x8x128xf32, #tpu.memory_space<hbm>>
    %dma_wait3A_116 = arith.constant 0 : i32
    %dma_wait3A_117 = arith.constant 0 : i32
    %dma_wait3A_118 = arith.constant 0 : i32
    %dma_wait3A_119 = tpu.memref_slice %arg4[%dma_wait3A_104, %dma_wait3A_105, %dma_wait3A_116, %dma_wait3A_117, %dma_wait3A_118] : memref<26x4x128x8x128xf32, #tpu.memory_space<hbm>> -> memref<1x1x4x8x128xf32, #tpu.memory_space<hbm>>
    %dma_wait3A_120 = tpu.memref_squeeze %dma_wait3A_119 : memref<1x1x4x8x128xf32, #tpu.memory_space<hbm>> -> memref<4x8x128xf32, #tpu.memory_space<hbm>>
    %dma_wait3A_121 = arith.constant 0 : i32
    %dma_wait3A_122 = arith.constant 0 : i32
    %dma_wait3A_123 = arith.constant 0 : i32
    %dma_wait3A_124 = tpu.memref_slice %arg7[%dma_wait3A_102, %dma_wait3A_121, %dma_wait3A_103, %dma_wait3A_122, %dma_wait3A_123] : memref<2x4x4x8x131xf32, #tpu.memory_space<vmem>> -> memref<1x4x1x8x128xf32, #tpu.memory_space<vmem>>
    %dma_wait3A_125 = tpu.memref_squeeze %dma_wait3A_124 : memref<1x4x1x8x128xf32, #tpu.memory_space<vmem>> -> memref<4x8x128xf32, #tpu.memory_space<vmem>>
    tpu.wait_dma2 semaphore(%arg10 : memref<!tpu.dma_semaphore, #tpu.memory_space<semaphore_mem>>) src(%dma_wait3A_125 : memref<4x8x128xf32, #tpu.memory_space<vmem>>) dst(%dma_wait3A_120 : memref<4x8x128xf32, #tpu.memory_space<hbm>>)
    %dma_wait3A_126 = arith.constant 0 : i32
    %dma_wait3A_127 = arith.constant 2 : i32
    %dma_wait3A_128 = arith.constant 0 : i32
    %dma_wait3A_129 = arith.constant 0 : i32
    %dma_wait3A_130 = arith.constant 0 : i32
    %dma_wait3A_131 = arith.constant 0 : i32
    %dma_wait3A_132 = arith.constant 0 : i32
    %dma_wait3A_133 = tpu.memref_slice %arg7[%dma_wait3A_126, %dma_wait3A_130, %dma_wait3A_127, %dma_wait3A_131, %dma_wait3A_132] : memref<2x4x4x8x131xf32, #tpu.memory_space<vmem>> -> memref<1x4x1x8x128xf32, #tpu.memory_space<vmem>>
    %dma_wait3A_134 = tpu.memref_squeeze %dma_wait3A_133 : memref<1x4x1x8x128xf32, #tpu.memory_space<vmem>> -> memref<4x8x128xf32, #tpu.memory_space<vmem>>
    %dma_wait3A_135 = arith.constant 0 : i32
    %dma_wait3A_136 = arith.constant 0 : i32
    %dma_wait3A_137 = arith.constant 0 : i32
    %dma_wait3A_138 = tpu.memref_slice %arg4[%dma_wait3A_128, %dma_wait3A_129, %dma_wait3A_135, %dma_wait3A_136, %dma_wait3A_137] : memref<26x4x128x8x128xf32, #tpu.memory_space<hbm>> -> memref<1x1x4x8x128xf32, #tpu.memory_space<hbm>>
    %dma_wait3A_139 = tpu.memref_squeeze %dma_wait3A_138 : memref<1x1x4x8x128xf32, #tpu.memory_space<hbm>> -> memref<4x8x128xf32, #tpu.memory_space<hbm>>
    %dma_wait3A_140 = arith.constant 0 : i32
    %dma_wait3A_141 = arith.constant 0 : i32
    %dma_wait3A_142 = arith.constant 0 : i32
    %dma_wait3A_143 = tpu.memref_slice %arg4[%dma_wait3A_128, %dma_wait3A_129, %dma_wait3A_140, %dma_wait3A_141, %dma_wait3A_142] : memref<26x4x128x8x128xf32, #tpu.memory_space<hbm>> -> memref<1x1x4x8x128xf32, #tpu.memory_space<hbm>>
    %dma_wait3A_144 = tpu.memref_squeeze %dma_wait3A_143 : memref<1x1x4x8x128xf32, #tpu.memory_space<hbm>> -> memref<4x8x128xf32, #tpu.memory_space<hbm>>
    %dma_wait3A_145 = arith.constant 0 : i32
    %dma_wait3A_146 = arith.constant 0 : i32
    %dma_wait3A_147 = arith.constant 0 : i32
    %dma_wait3A_148 = tpu.memref_slice %arg7[%dma_wait3A_126, %dma_wait3A_145, %dma_wait3A_127, %dma_wait3A_146, %dma_wait3A_147] : memref<2x4x4x8x131xf32, #tpu.memory_space<vmem>> -> memref<1x4x1x8x128xf32, #tpu.memory_space<vmem>>
    %dma_wait3A_149 = tpu.memref_squeeze %dma_wait3A_148 : memref<1x4x1x8x128xf32, #tpu.memory_space<vmem>> -> memref<4x8x128xf32, #tpu.memory_space<vmem>>
    tpu.wait_dma2 semaphore(%arg10 : memref<!tpu.dma_semaphore, #tpu.memory_space<semaphore_mem>>) src(%dma_wait3A_149 : memref<4x8x128xf32, #tpu.memory_space<vmem>>) dst(%dma_wait3A_144 : memref<4x8x128xf32, #tpu.memory_space<hbm>>)
    %dma_wait3A_150 = arith.constant 0 : i32
    %dma_wait3A_151 = arith.constant 3 : i32
    %dma_wait3A_152 = arith.constant 0 : i32
    %dma_wait3A_153 = arith.constant 0 : i32
    %dma_wait3A_154 = arith.constant 0 : i32
    %dma_wait3A_155 = arith.constant 0 : i32
    %dma_wait3A_156 = arith.constant 0 : i32
    %dma_wait3A_157 = tpu.memref_slice %arg7[%dma_wait3A_150, %dma_wait3A_154, %dma_wait3A_151, %dma_wait3A_155, %dma_wait3A_156] : memref<2x4x4x8x131xf32, #tpu.memory_space<vmem>> -> memref<1x4x1x8x128xf32, #tpu.memory_space<vmem>>
    %dma_wait3A_158 = tpu.memref_squeeze %dma_wait3A_157 : memref<1x4x1x8x128xf32, #tpu.memory_space<vmem>> -> memref<4x8x128xf32, #tpu.memory_space<vmem>>
    %dma_wait3A_159 = arith.constant 0 : i32
    %dma_wait3A_160 = arith.constant 0 : i32
    %dma_wait3A_161 = arith.constant 0 : i32
    %dma_wait3A_162 = tpu.memref_slice %arg4[%dma_wait3A_152, %dma_wait3A_153, %dma_wait3A_159, %dma_wait3A_160, %dma_wait3A_161] : memref<26x4x128x8x128xf32, #tpu.memory_space<hbm>> -> memref<1x1x4x8x128xf32, #tpu.memory_space<hbm>>
    %dma_wait3A_163 = tpu.memref_squeeze %dma_wait3A_162 : memref<1x1x4x8x128xf32, #tpu.memory_space<hbm>> -> memref<4x8x128xf32, #tpu.memory_space<hbm>>
    %dma_wait3A_164 = arith.constant 0 : i32
    %dma_wait3A_165 = arith.constant 0 : i32
    %dma_wait3A_166 = arith.constant 0 : i32
    %dma_wait3A_167 = tpu.memref_slice %arg4[%dma_wait3A_152, %dma_wait3A_153, %dma_wait3A_164, %dma_wait3A_165, %dma_wait3A_166] : memref<26x4x128x8x128xf32, #tpu.memory_space<hbm>> -> memref<1x1x4x8x128xf32, #tpu.memory_space<hbm>>
    %dma_wait3A_168 = tpu.memref_squeeze %dma_wait3A_167 : memref<1x1x4x8x128xf32, #tpu.memory_space<hbm>> -> memref<4x8x128xf32, #tpu.memory_space<hbm>>
    %dma_wait3A_169 = arith.constant 0 : i32
    %dma_wait3A_170 = arith.constant 0 : i32
    %dma_wait3A_171 = arith.constant 0 : i32
    %dma_wait3A_172 = tpu.memref_slice %arg7[%dma_wait3A_150, %dma_wait3A_169, %dma_wait3A_151, %dma_wait3A_170, %dma_wait3A_171] : memref<2x4x4x8x131xf32, #tpu.memory_space<vmem>> -> memref<1x4x1x8x128xf32, #tpu.memory_space<vmem>>
    %dma_wait3A_173 = tpu.memref_squeeze %dma_wait3A_172 : memref<1x4x1x8x128xf32, #tpu.memory_space<vmem>> -> memref<4x8x128xf32, #tpu.memory_space<vmem>>
    tpu.wait_dma2 semaphore(%arg10 : memref<!tpu.dma_semaphore, #tpu.memory_space<semaphore_mem>>) src(%dma_wait3A_173 : memref<4x8x128xf32, #tpu.memory_space<vmem>>) dst(%dma_wait3A_168 : memref<4x8x128xf32, #tpu.memory_space<hbm>>)
    %dma_wait3A_174 = arith.constant 1 : i32
    %dma_wait3A_175 = arith.constant 0 : i32
    %dma_wait3A_176 = arith.constant 0 : i32
    %dma_wait3A_177 = arith.constant 0 : i32
    %dma_wait3A_178 = arith.constant 0 : i32
    %dma_wait3A_179 = arith.constant 0 : i32
    %dma_wait3A_180 = arith.constant 0 : i32
    %dma_wait3A_181 = tpu.memref_slice %arg7[%dma_wait3A_174, %dma_wait3A_178, %dma_wait3A_175, %dma_wait3A_179, %dma_wait3A_180] : memref<2x4x4x8x131xf32, #tpu.memory_space<vmem>> -> memref<1x4x1x8x128xf32, #tpu.memory_space<vmem>>
    %dma_wait3A_182 = tpu.memref_squeeze %dma_wait3A_181 : memref<1x4x1x8x128xf32, #tpu.memory_space<vmem>> -> memref<4x8x128xf32, #tpu.memory_space<vmem>>
    %dma_wait3A_183 = arith.constant 0 : i32
    %dma_wait3A_184 = arith.constant 0 : i32
    %dma_wait3A_185 = arith.constant 0 : i32
    %dma_wait3A_186 = tpu.memref_slice %arg4[%dma_wait3A_176, %dma_wait3A_177, %dma_wait3A_183, %dma_wait3A_184, %dma_wait3A_185] : memref<26x4x128x8x128xf32, #tpu.memory_space<hbm>> -> memref<1x1x4x8x128xf32, #tpu.memory_space<hbm>>
    %dma_wait3A_187 = tpu.memref_squeeze %dma_wait3A_186 : memref<1x1x4x8x128xf32, #tpu.memory_space<hbm>> -> memref<4x8x128xf32, #tpu.memory_space<hbm>>
    %dma_wait3A_188 = arith.constant 0 : i32
    %dma_wait3A_189 = arith.constant 0 : i32
    %dma_wait3A_190 = arith.constant 0 : i32
    %dma_wait3A_191 = tpu.memref_slice %arg4[%dma_wait3A_176, %dma_wait3A_177, %dma_wait3A_188, %dma_wait3A_189, %dma_wait3A_190] : memref<26x4x128x8x128xf32, #tpu.memory_space<hbm>> -> memref<1x1x4x8x128xf32, #tpu.memory_space<hbm>>
    %dma_wait3A_192 = tpu.memref_squeeze %dma_wait3A_191 : memref<1x1x4x8x128xf32, #tpu.memory_space<hbm>> -> memref<4x8x128xf32, #tpu.memory_space<hbm>>
    %dma_wait3A_193 = arith.constant 0 : i32
    %dma_wait3A_194 = arith.constant 0 : i32
    %dma_wait3A_195 = arith.constant 0 : i32
    %dma_wait3A_196 = tpu.memref_slice %arg7[%dma_wait3A_174, %dma_wait3A_193, %dma_wait3A_175, %dma_wait3A_194, %dma_wait3A_195] : memref<2x4x4x8x131xf32, #tpu.memory_space<vmem>> -> memref<1x4x1x8x128xf32, #tpu.memory_space<vmem>>
    %dma_wait3A_197 = tpu.memref_squeeze %dma_wait3A_196 : memref<1x4x1x8x128xf32, #tpu.memory_space<vmem>> -> memref<4x8x128xf32, #tpu.memory_space<vmem>>
    tpu.wait_dma2 semaphore(%arg11 : memref<!tpu.dma_semaphore, #tpu.memory_space<semaphore_mem>>) src(%dma_wait3A_197 : memref<4x8x128xf32, #tpu.memory_space<vmem>>) dst(%dma_wait3A_192 : memref<4x8x128xf32, #tpu.memory_space<hbm>>)
    %dma_wait3A_198 = arith.constant 1 : i32
    %dma_wait3A_199 = arith.constant 1 : i32
    %dma_wait3A_200 = arith.constant 0 : i32
    %dma_wait3A_201 = arith.constant 0 : i32
    %dma_wait3A_202 = arith.constant 0 : i32
    %dma_wait3A_203 = arith.constant 0 : i32
    %dma_wait3A_204 = arith.constant 0 : i32
    %dma_wait3A_205 = tpu.memref_slice %arg7[%dma_wait3A_198, %dma_wait3A_202, %dma_wait3A_199, %dma_wait3A_203, %dma_wait3A_204] : memref<2x4x4x8x131xf32, #tpu.memory_space<vmem>> -> memref<1x4x1x8x128xf32, #tpu.memory_space<vmem>>
    %dma_wait3A_206 = tpu.memref_squeeze %dma_wait3A_205 : memref<1x4x1x8x128xf32, #tpu.memory_space<vmem>> -> memref<4x8x128xf32, #tpu.memory_space<vmem>>
    %dma_wait3A_207 = arith.constant 0 : i32
    %dma_wait3A_208 = arith.constant 0 : i32
    %dma_wait3A_209 = arith.constant 0 : i32
    %dma_wait3A_210 = tpu.memref_slice %arg4[%dma_wait3A_200, %dma_wait3A_201, %dma_wait3A_207, %dma_wait3A_208, %dma_wait3A_209] : memref<26x4x128x8x128xf32, #tpu.memory_space<hbm>> -> memref<1x1x4x8x128xf32, #tpu.memory_space<hbm>>
    %dma_wait3A_211 = tpu.memref_squeeze %dma_wait3A_210 : memref<1x1x4x8x128xf32, #tpu.memory_space<hbm>> -> memref<4x8x128xf32, #tpu.memory_space<hbm>>
    %dma_wait3A_212 = arith.constant 0 : i32
    %dma_wait3A_213 = arith.constant 0 : i32
    %dma_wait3A_214 = arith.constant 0 : i32
    %dma_wait3A_215 = tpu.memref_slice %arg4[%dma_wait3A_200, %dma_wait3A_201, %dma_wait3A_212, %dma_wait3A_213, %dma_wait3A_214] : memref<26x4x128x8x128xf32, #tpu.memory_space<hbm>> -> memref<1x1x4x8x128xf32, #tpu.memory_space<hbm>>
    %dma_wait3A_216 = tpu.memref_squeeze %dma_wait3A_215 : memref<1x1x4x8x128xf32, #tpu.memory_space<hbm>> -> memref<4x8x128xf32, #tpu.memory_space<hbm>>
    %dma_wait3A_217 = arith.constant 0 : i32
    %dma_wait3A_218 = arith.constant 0 : i32
    %dma_wait3A_219 = arith.constant 0 : i32
    %dma_wait3A_220 = tpu.memref_slice %arg7[%dma_wait3A_198, %dma_wait3A_217, %dma_wait3A_199, %dma_wait3A_218, %dma_wait3A_219] : memref<2x4x4x8x131xf32, #tpu.memory_space<vmem>> -> memref<1x4x1x8x128xf32, #tpu.memory_space<vmem>>
    %dma_wait3A_221 = tpu.memref_squeeze %dma_wait3A_220 : memref<1x4x1x8x128xf32, #tpu.memory_space<vmem>> -> memref<4x8x128xf32, #tpu.memory_space<vmem>>
    tpu.wait_dma2 semaphore(%arg11 : memref<!tpu.dma_semaphore, #tpu.memory_space<semaphore_mem>>) src(%dma_wait3A_221 : memref<4x8x128xf32, #tpu.memory_space<vmem>>) dst(%dma_wait3A_216 : memref<4x8x128xf32, #tpu.memory_space<hbm>>)
    %dma_wait3A_222 = arith.constant 1 : i32
    %dma_wait3A_223 = arith.constant 2 : i32
    %dma_wait3A_224 = arith.constant 0 : i32
    %dma_wait3A_225 = arith.constant 0 : i32
    %dma_wait3A_226 = arith.constant 0 : i32
    %dma_wait3A_227 = arith.constant 0 : i32
    %dma_wait3A_228 = arith.constant 0 : i32
    %dma_wait3A_229 = tpu.memref_slice %arg7[%dma_wait3A_222, %dma_wait3A_226, %dma_wait3A_223, %dma_wait3A_227, %dma_wait3A_228] : memref<2x4x4x8x131xf32, #tpu.memory_space<vmem>> -> memref<1x4x1x8x128xf32, #tpu.memory_space<vmem>>
    %dma_wait3A_230 = tpu.memref_squeeze %dma_wait3A_229 : memref<1x4x1x8x128xf32, #tpu.memory_space<vmem>> -> memref<4x8x128xf32, #tpu.memory_space<vmem>>
    %dma_wait3A_231 = arith.constant 0 : i32
    %dma_wait3A_232 = arith.constant 0 : i32
    %dma_wait3A_233 = arith.constant 0 : i32
    %dma_wait3A_234 = tpu.memref_slice %arg4[%dma_wait3A_224, %dma_wait3A_225, %dma_wait3A_231, %dma_wait3A_232, %dma_wait3A_233] : memref<26x4x128x8x128xf32, #tpu.memory_space<hbm>> -> memref<1x1x4x8x128xf32, #tpu.memory_space<hbm>>
    %dma_wait3A_235 = tpu.memref_squeeze %dma_wait3A_234 : memref<1x1x4x8x128xf32, #tpu.memory_space<hbm>> -> memref<4x8x128xf32, #tpu.memory_space<hbm>>
    %dma_wait3A_236 = arith.constant 0 : i32
    %dma_wait3A_237 = arith.constant 0 : i32
    %dma_wait3A_238 = arith.constant 0 : i32
    %dma_wait3A_239 = tpu.memref_slice %arg4[%dma_wait3A_224, %dma_wait3A_225, %dma_wait3A_236, %dma_wait3A_237, %dma_wait3A_238] : memref<26x4x128x8x128xf32, #tpu.memory_space<hbm>> -> memref<1x1x4x8x128xf32, #tpu.memory_space<hbm>>
    %dma_wait3A_240 = tpu.memref_squeeze %dma_wait3A_239 : memref<1x1x4x8x128xf32, #tpu.memory_space<hbm>> -> memref<4x8x128xf32, #tpu.memory_space<hbm>>
    %dma_wait3A_241 = arith.constant 0 : i32
    %dma_wait3A_242 = arith.constant 0 : i32
    %dma_wait3A_243 = arith.constant 0 : i32
    %dma_wait3A_244 = tpu.memref_slice %arg7[%dma_wait3A_222, %dma_wait3A_241, %dma_wait3A_223, %dma_wait3A_242, %dma_wait3A_243] : memref<2x4x4x8x131xf32, #tpu.memory_space<vmem>> -> memref<1x4x1x8x128xf32, #tpu.memory_space<vmem>>
    %dma_wait3A_245 = tpu.memref_squeeze %dma_wait3A_244 : memref<1x4x1x8x128xf32, #tpu.memory_space<vmem>> -> memref<4x8x128xf32, #tpu.memory_space<vmem>>
    tpu.wait_dma2 semaphore(%arg11 : memref<!tpu.dma_semaphore, #tpu.memory_space<semaphore_mem>>) src(%dma_wait3A_245 : memref<4x8x128xf32, #tpu.memory_space<vmem>>) dst(%dma_wait3A_240 : memref<4x8x128xf32, #tpu.memory_space<hbm>>)
    %dma_wait3A_246 = arith.constant 1 : i32
    %dma_wait3A_247 = arith.constant 3 : i32
    %dma_wait3A_248 = arith.constant 0 : i32
    %dma_wait3A_249 = arith.constant 0 : i32
    %dma_wait3A_250 = arith.constant 0 : i32
    %dma_wait3A_251 = arith.constant 0 : i32
    %dma_wait3A_252 = arith.constant 0 : i32
    %dma_wait3A_253 = tpu.memref_slice %arg7[%dma_wait3A_246, %dma_wait3A_250, %dma_wait3A_247, %dma_wait3A_251, %dma_wait3A_252] : memref<2x4x4x8x131xf32, #tpu.memory_space<vmem>> -> memref<1x4x1x8x128xf32, #tpu.memory_space<vmem>>
    %dma_wait3A_254 = tpu.memref_squeeze %dma_wait3A_253 : memref<1x4x1x8x128xf32, #tpu.memory_space<vmem>> -> memref<4x8x128xf32, #tpu.memory_space<vmem>>
    %dma_wait3A_255 = arith.constant 0 : i32
    %dma_wait3A_256 = arith.constant 0 : i32
    %dma_wait3A_257 = arith.constant 0 : i32
    %dma_wait3A_258 = tpu.memref_slice %arg4[%dma_wait3A_248, %dma_wait3A_249, %dma_wait3A_255, %dma_wait3A_256, %dma_wait3A_257] : memref<26x4x128x8x128xf32, #tpu.memory_space<hbm>> -> memref<1x1x4x8x128xf32, #tpu.memory_space<hbm>>
    %dma_wait3A_259 = tpu.memref_squeeze %dma_wait3A_258 : memref<1x1x4x8x128xf32, #tpu.memory_space<hbm>> -> memref<4x8x128xf32, #tpu.memory_space<hbm>>
    %dma_wait3A_260 = arith.constant 0 : i32
    %dma_wait3A_261 = arith.constant 0 : i32
    %dma_wait3A_262 = arith.constant 0 : i32
    %dma_wait3A_263 = tpu.memref_slice %arg4[%dma_wait3A_248, %dma_wait3A_249, %dma_wait3A_260, %dma_wait3A_261, %dma_wait3A_262] : memref<26x4x128x8x128xf32, #tpu.memory_space<hbm>> -> memref<1x1x4x8x128xf32, #tpu.memory_space<hbm>>
    %dma_wait3A_264 = tpu.memref_squeeze %dma_wait3A_263 : memref<1x1x4x8x128xf32, #tpu.memory_space<hbm>> -> memref<4x8x128xf32, #tpu.memory_space<hbm>>
    %dma_wait3A_265 = arith.constant 0 : i32
    %dma_wait3A_266 = arith.constant 0 : i32
    %dma_wait3A_267 = arith.constant 0 : i32
    %dma_wait3A_268 = tpu.memref_slice %arg7[%dma_wait3A_246, %dma_wait3A_265, %dma_wait3A_247, %dma_wait3A_266, %dma_wait3A_267] : memref<2x4x4x8x131xf32, #tpu.memory_space<vmem>> -> memref<1x4x1x8x128xf32, #tpu.memory_space<vmem>>
    %dma_wait3A_269 = tpu.memref_squeeze %dma_wait3A_268 : memref<1x4x1x8x128xf32, #tpu.memory_space<vmem>> -> memref<4x8x128xf32, #tpu.memory_space<vmem>>
    tpu.wait_dma2 semaphore(%arg11 : memref<!tpu.dma_semaphore, #tpu.memory_space<semaphore_mem>>) src(%dma_wait3A_269 : memref<4x8x128xf32, #tpu.memory_space<vmem>>) dst(%dma_wait3A_264 : memref<4x8x128xf32, #tpu.memory_space<hbm>>)
    return
  }
}

</mosaic_0001>

<sc_bundles>
// kernel: kernel.3.cloned.1.call-start
scs
__scs_entry_jumppad:
0x0: {  	(pc) =	sbr.rel $0x88, $3  }
0x1: {  	(tag) =	ssettag $0x0;
	lr =	simm.s32 $0x1  }
0x2: {  	[smem:$0x3F9F] =	sst lr;
	_ =	strace $0xD0000000  }
0x3: {  	_ = 	snop  }
0x4: {  	_ = 	snop  }
0x5: {  	_ = 	snop  }
0x6: {  	_ = 	snop  }
0x7: {  	_ = 	snop  }
__scs_overlays_trampoline_lowered:
0x8: {  	[smem:$0x3FAE] =	sst s0  }
0x9: {  	[smem:$0x3FAF] =	sst s1  }
0xa: {  	[smem:$0x3FB0] =	sst s2  }
0xb: {  	[smem:$0x3FB1] =	sst s3  }
0xc: {  	[smem:$0x3FB2] =	sst s4  }
0xd: {  	[smem:$0x3FB3] =	sst s5  }
0xe: {  	[smem:$0x3FB4] =	sst s6  }
0xf: {  	[smem:$0x3FB5] =	sst s7  }
0x10: {  	[smem:$0x3FB6] =	sst s8  }
0x11: {  	[smem:$0x3FB7] =	sst s9;
	s0 =	simm.s32 @!p0 $0x0  }
0x12: {  	s1 =	sld [smem:$0x3F9D];
	s0 =	simm.s32 @p0 $0x1  }
0x13: {  	[smem:$0x3FB8] =	sst s0;
	s0 =	simm.s32 @!p1 $0x0  }
0x14: {  	s2 =	sld [smem:$0x3F9C];
	s0 =	simm.s32 @p1 $0x1  }
0x15: {  	[smem:$0x3FB9] =	sst s0;
	s0 =	simm.s32 @!p2 $0x0  }
0x16: {  	s3 =	sld [smem:$0x3FDB];
	s0 =	simm.s32 @p2 $0x1  }
0x17: {  	s4 =	simm.s32 $0x1BF5;
	[smem:$0x3FBB] =	sst s0  }
0x18: {  	s0 =	sld [smem:$0x3F9E];
	_ =	swait.ge [sflag:s4], $0x0  }
0x19: {  	s7 =	sld [smem:$0x3F9F]  }
0x1a: {  	s8 =	sadd.s32 $0xFFFFE003, lr  }
0x1b: {  	s9 =	sadd.s32 $0xFFFFFEF7, lr;
	s5 =	simm.s32 $0xFFFFFFFF;
	p2 =	slt.u32 s8, $0xFFFFF086  }
0x1c: {  	p1 =	slt.u32 s9, $0xF7A;
	s5 =	simm.s32 @!p2 $0x0  }
0x1d: {  	s5 =	simm.s32 @p1 $0x1;
	p0 =	seq.s32 s7, s2  }
0x1e: {  	s7 =	smul.u32 @!p0 $0xF7A, s2;
	p2 =	seq.s32 @!p0 s5, $0x0  }
0x1f: {  	s9 =	smul.u32 $0xF7A, s1;
	s8 =	simm.s32 @!p0 $0x1BF5;
	p2 =	por !p2, p0  }
0x20: {  	[sflag:s8] =	ssyncset.s32 @!p0 $0xFFFFF086;
	s6 =	sadd.s32 @!p0 s3, s7;
	s7 =	simm.s32 @!p0 $0x108  }
0x21: {  	s3 =	sadd.s32 s3, s9;
	s6 =	sadd.s32 @!p0 $0x88, s6;
	s7 =	simm.s32 @p2 $0x1082  }
0x22: {  	[simem:s7], [sflag:s8] =	dma.local @!p0 [hbm:s6], $0xF7A  }
0x23: {  	s9 =	sor.u32 $0xD0000000, s2;
	s6 =	simm.s32 $0x108;
	_ =	swait.ge @!p0 [sflag:s8], $0x0  }
0x24: {  	s3 =	sadd.s32 $0x88, s3;
	s6 =	simm.s32 @!p1 $0x1082;
	[sflag:s4] =	ssyncset.s32 $0xFFFFF086  }
0x25: {  	[simem:s6], [sflag:s4] =	dma.local [hbm:s3], $0xF7A  }
0x26: {  	[smem:$0x3F9F] =	sst s1;
	(tag) =	ssettag s2;
	_ =	strace s9  }
0x27: {  	s1 =	sld [smem:$0x3FAF]  }
0x28: {  	s2 =	sld [smem:$0x3FB0]  }
0x29: {  	s4 =	sld [smem:$0x3FB2]  }
0x2a: {  	p0 =	seq.s32 s5, $0x0;
	s5 =	sld [smem:$0x3FB3]  }
0x2b: {  	s6 =	sld [smem:$0x3FB4]  }
0x2c: {  	s7 =	sld [smem:$0x3FB5]  }
0x2d: {  	s3 =	simm.s32 $0x108;
	s8 =	sld [smem:$0x3FB6]  }
0x2e: {  	s3 =	simm.s32 @!p0 $0x1082;
	s9 =	sld [smem:$0x3FB7]  }
0x2f: {  	lr =	sadd.s32 s0, s3;
	s0 =	sld [smem:$0x3FAE]  }
0x30: {  	s3 =	sld [smem:$0x3FB1]  }
0x31: {  	[smem:$0x3FBA] =	sst s10  }
0x32: {  	s10 =	sld [smem:$0x3FB8];
	_ =	sdelay $0x3  }
0x33: {  	p0 =	seq.s32 s10, $0x1;
	s10 =	sld [smem:$0x3FBA];
	_ =	sdelay $0x3  }
0x34: {  	[smem:$0x3FBA] =	sst s10  }
0x35: {  	s10 =	sld [smem:$0x3FB9];
	_ =	sdelay $0x3  }
0x36: {  	p1 =	seq.s32 s10, $0x1;
	s10 =	sld [smem:$0x3FBA];
	_ =	sdelay $0x3  }
0x37: {  	[smem:$0x3FBA] =	sst s10  }
0x38: {  	s10 =	sld [smem:$0x3FBB]  }
0x39: {  	_ = 	snop;
	(pc) =	sbr.ind lr, $3  }
0x3a: {  	_ = 	snop  }
0x3b: {  	_ = 	snop  }
0x3c: {  	p2 =	seq.s32 s10, $0x1;
	s10 =	sld [smem:$0x3FBA]  }
0x3d: {  	_ =	shalt  }
0x3e: {  	_ =	shalt  }
0x3f: {  	_ =	shalt  }
0x40: {  	_ =	shalt  }
0x41: {  	_ =	shalt  }
0x42: {  	_ =	shalt  }
0x43: {  	_ =	shalt  }
0x44: {  	_ =	shalt  }
0x45: {  	_ =	shalt  }
0x46: {  	_ =	shalt  }
0x47: {  	_ =	shalt  }
0x48: {  	_ =	shalt  }
0x49: {  	_ =	shalt  }
0x4a: {  	_ =	shalt  }
0x4b: {  	_ =	shalt  }
0x4c: {  	_ =	shalt  }
0x4d: {  	_ =	shalt  }
0x4e: {  	_ =	shalt  }
0x4f: {  	_ =	shalt  }
0x50: {  	_ =	shalt  }
0x51: {  	_ =	shalt  }
0x52: {  	_ =	shalt  }
0x53: {  	_ =	shalt  }
0x54: {  	_ =	shalt  }
0x55: {  	_ =	shalt  }
0x56: {  	_ =	shalt  }
0x57: {  	_ =	shalt  }
0x58: {  	_ =	shalt  }
0x59: {  	_ =	shalt  }
0x5a: {  	_ =	shalt  }
0x5b: {  	_ =	shalt  }
0x5c: {  	_ =	shalt  }
0x5d: {  	_ =	shalt  }
0x5e: {  	_ =	shalt  }
0x5f: {  	_ =	shalt  }
0x60: {  	_ =	shalt  }
0x61: {  	_ =	shalt  }
0x62: {  	_ =	shalt  }
0x63: {  	_ =	shalt  }
0x64: {  	_ =	shalt  }
0x65: {  	_ =	shalt  }
0x66: {  	_ =	shalt  }
0x67: {  	_ =	shalt  }
0x68: {  	_ =	shalt  }
0x69: {  	_ =	shalt  }
0x6a: {  	_ =	shalt  }
0x6b: {  	_ =	shalt  }
0x6c: {  	_ =	shalt  }
0x6d: {  	_ =	shalt  }
0x6e: {  	_ =	shalt  }
0x6f: {  	_ =	shalt  }
0x70: {  	_ =	shalt  }
0x71: {  	_ =	shalt  }
0x72: {  	_ =	shalt  }
0x73: {  	_ =	shalt  }
0x74: {  	_ =	shalt  }
0x75: {  	_ =	shalt  }
0x76: {  	_ =	shalt  }
0x77: {  	_ =	shalt  }
0x78: {  	_ =	shalt  }
0x79: {  	_ =	shalt  }
0x7a: {  	_ =	shalt  }
0x7b: {  	_ =	shalt  }
0x7c: {  	_ =	shalt  }
0x7d: {  	_ =	shalt  }
0x7e: {  	_ =	shalt  }
0x7f: {  	_ =	shalt  }
0x80: {  	_ =	shalt  }
0x81: {  	_ =	shalt  }
0x82: {  	_ =	shalt  }
0x83: {  	_ =	shalt  }
0x84: {  	_ =	shalt  }
0x85: {  	_ =	shalt  }
0x86: {  	_ =	shalt  }
0x87: {  	_ =	shalt  }
.Lfunc_end0:
.L_simem_size_0:
called_computation_lowered:
.L_overlay_start_0:
0x88: {  	s2 =	sld [smem:$0x3FD9]  }
0x89: {  	s3 =	sld [smem:$0x3FFE];
	_ =	sdelay $0x1  }
0x8a: {  	s1 =	srdreg.scid  }
0x8b: {  	s0 =	sand.u32 $0x1, s1  }
0x8c: {  	s17 =	sshll.u32 s0, $0xA;
	s2 =	sadd.s32 s3, s2  }
0x8d: {  	s2 =	sadd.s32 s2, s17  }
0x8e: {  	[smem:$0x3FC6] =	sst s2  }
0x8f: {  	_ = 	snop  }
0x90: {  	s2 =	sld [smem:$0x3FD0];
	(tm) =	ssettm $0x1  }
0x91: {  	s18 =	sld [smem:$0x3FFB];
	_ =	sdelay $0x3  }
0x92: {  	_ =	strace s18  }
0x93: {  	s3 =	sld [smem:$0x3FFC];
	_ =	sdelay $0x3  }
0x94: {  	_ =	strace s3  }
0x95: {  	s3 =	sld [smem:$0x3FFD];
	_ =	sdelay $0x3  }
0x96: {  	_ =	strace s3  }
0x97: {  	_ =	strace $0x8FFFFFFF  }
0x98: {  	s19 =	sld [smem:$0x3FDB];
	_ =	sdelay $0x1  }
0x99: {  	s4 =	simm.s32 $_scs_section_size  }
0x9a: {  	s5 =	simm.s32 $_size__tile_overlayer_lowered;
	s6 =	simm.s32 $_tile_overlayer_lowered  }
0x9b: {  	s22 =	simm.s32 $0x1BFF;
	s21 =	sshll.u32 s6, $0x1;
	s3 =	sadd.s32 s4, s19  }
0x9c: {  	s7 =	simm.s32 $0x0;
	s20 =	sshll.u32 s5, $0x1;
	s5 =	sadd.s32 s21, s3  }
0x9d: {  	[timem:s7], [sflag:s22] =	dma.local [hbm:s5], s20  }
0x9e: {  	_ =	swait.ge [sflag:s22], s20  }
0x9f: {  	s4 =	ssub.s32 $0x0, s20;
	[sflag:s22] =	ssyncset.done $0x0  }
0xa0: {  	[sflag:s22] =	ssyncadd.s32 s4;
	_ =	sdelay $0x1  }
0xa1: {  	s23 =	simm.s32 $0x1B8B  }
0xa2: {  	_ =	swait.ge [sflag:s23], $0x1  }
0xa3: {  	[sflag:s23] =	ssyncset.done $0x0  }
0xa4: {  	s25 =	simm.s32 $0x1B8E;
	s24 =	sld [smem:$0x3FFE];
	[sflag:s23] =	ssyncadd.s32 $0xFFFFFFFF  }
0xa5: {  	s26 =	simm.s32 $execute0_lowered;
	[smem:$0x3FD2] =	sst s25  }
0xa6: {  	s5 =	sshll.u32 s26, $0x1;
	_ =	strace $0x80000046;
	[dreg:$0x1] =	wrdreg $0xFFFFFFFF  }
0xa7: {  	s28 =	simm.s32 $_size_execute0_lowered;
	s3 =	sadd.s32 s3, s5;
	[dreg:$0x0] =	wrdreg $0x0  }
0xa8: {  	s5 =	sshll.u32 s28, $0x1;
	[dreg:$0x2] =	wrdreg s3  }
0xa9: {  	[dreg:$0x3] =	wrdreg s5  }
0xaa: {  	[dreg:$0x4] =	wrdreg $0xC0  }
0xab: {  	_ =	task [dreg:s7], $0x5FFFF  }
0xac: {  	[dreg:$0x1] =	wrdreg $0xFFFFFFFF  }
0xad: {  	[dreg:$0x0] =	wrdreg $0x60  }
0xae: {  	[dreg:$0x2] =	wrdreg s24  }
0xaf: {  	[dreg:$0x3] =	wrdreg s2  }
0xb0: {  	[dreg:$0x4] =	wrdreg $0x9  }
0xb1: {  	_ =	task.clear_ibuf [dreg:s7], $0x5FFFF;
	_ =	strace $0x90000046  }
0xb2: {  	s29 =	simm.s32 $0x9;
	_ =	strace $0x80000048  }
0xb3: {  	_ =	swait.ge [sflag:s29], $0x1  }
0xb4: {  	[sflag:s29] =	ssyncadd.s32 $0xFFFFFFFF  }
0xb5: {  	_ =	strace $0x90000048  }
0xb6: {  	_ =	sfence  }
0xb7: {  	s30 =	sld [smem:$0x0];
	_ =	sdelay $0x2  }
0xb8: {  	s31 =	sshll.u32 s1, $0xD;
	s1 =	sshrl.u32 s1, $0x2  }
0xb9: {  	s3 =	sand.u32 $0x4000, s31;
	s1 =	sadd.s32 s1, s30  }
0xba: {  	s0 =	sor.u32 s3, s0;
	s1 =	sshll.u32 s1, $0x11  }
0xbb: {  	s0 =	sor.u32 s1, s0  }
0xbc: {  	s0 =	sadd.s32 $0x8F2B, s0  }
0xbd: {  	[sflag:s0] =	ssyncadd.remote.s32 $0x1  }
0xbe: {  	_ =	sfence.sel $0xFFFF  }
0xbf: {  	[dreg:$0x0] =	wrdreg $0xFFFFFFFF;
	(pc) =	sbr.abs _section_cstart, $3  }
0xc0: {  	[dreg:$0x1] =	wrdreg $0xFFFFFFFF  }
0xc1: {  	_ =	task.clear_ibuf [dreg:s7], $0x2FFFF;
	_ =	strace $0x9FFFFFFF  }
0xc2: {  	(tm) =	ssettm $0x7FFFFFFF  }
0xc3: {  	_ =	shalt  }
tec
execute0_lowered:
.L_overlay_start_1:
0x0: {  	(tag) =	ssettag $0x1  }
0x1: {  	s0 =	srdreg.scid  }
0x2: {  	s2 =	stileid.u32;
	s1 =	rddreg [dreg:$0x0];
	s15 =	simm.s32 $0x1  }
0x3: {  	s16 =	simm.s32 $0xB400;
	s14 =	simm.s32 $0x2;
	s12 =	simm.s32 $0xF800  }
0x4: {  	s31 =	simm.s32 $0x12968;
	s13 =	simm.s32 $0x137C0;
	s10 =	simm.s32 $0x138D0  }
0x5: {  	s11 =	simm.s32 $0x13958;
	s17 =	simm.s32 $0x139E0;
	s18 =	simm.s32 $0x13A68  }
0x6: {  	s19 =	simm.s32 $0x13AF0;
	s20 =	simm.s32 $0x13B78;
	s23 =	simm.s32 $0x0  }
0x7: {  	s0 =	sand.u32 $0x1, s0;
	s3 =	sshll.u32 s2, $0x1;
	s2 =	rddreg [dreg:$0x1]  }
0x8: {  	s5 =	sor.u32 s0, s3;
	s3 =	simm.s32 $0x0;
	s0 =	ssub.s32 $0x2, s0  }
0x9: {  	s8 =	sadd.s32 $0x8000, s2;
	s4 =	smul.u32 $0x680, s5;
	[smem:$0x7FF] =	sst s3  }
0xa: {  	s9 =	sadd.s32 $0xC000, s2;
	s7 =	sshrl.u32 s0, $0x1;
	_ =	strace $0x80000047  }
0xb: {  	v0 =	vlaneseq.u32;
	s0 =	ssub.s32 s0, s7;
	s7 =	sadd.s32 $0x4000, s2;
	s6 =	sadd.s32 s4, s1  }
0xc: {  	v0 =	vmul.u32 $0x88, v0;
	s4 =	sadd.s32 $0xF42A00, s1;
	s0 =	smax.u32 s0, $0x1;
	s1 =	simm.s32 $0x129F0  }
0xd: {  	s30 =	sadd.s32 $0x600, s6;
	s6 =	smul.u32 $0x1A, s5;
	[dreg:$0x4] =	wrdreg s0  }
0xe: {  	v1 =	vadd.s32 $0x880, v0;
	s0 =	simm.s32 $0x12A78;
	s5 =	simm.s32 $0x13848;
	[dreg:$0x3] =	wrdreg s30  }
.LBB2_1:
0xf: {  	[dreg:$0x5] =	wrdreg s23  }
0x10: {  	s21 =	rddreg [dreg:$0x3];
	s28 =	simm.s32 $0x5  }
0x11: {  	[tilespmem:s3], [sflag:$0x5] =	stream.linear.gather [hbm4b:s21+s3], $0x3400, $0x38;
	[tilespmem:$0x13C00] =	vst v63  }
0x12: {  	_ =	swait.ge [sflag:s28], $0x3400  }
0x13: {  	[sflag:s28] =	ssyncset.done $0x0  }
0x14: {  	s29 =	simm.s32 $0x200;
	s22 =	simm.s32 $0x3400;
	[sflag:s28] =	ssyncadd.s32 $0xFFFFCC00  }
0x15: {  	[tilespmem:s22], [sflag:$0x1] =	stream.indirect.gather [hbm4b:s4+s29], $0x20, s3, s29, $0xb8;
	[tilespmem:$0x13C00] =	vst v63  }
0x16: {  	s30 =	simm.s32 $0x7400;
	s21 =	simm.s32 $0x0  }
0x17: {  	[tilespmem:s30], [sflag:$0x2] =	stream.indirect.gather [hbm4b:s4+s29], $0x20, s29, s29, $0xb8;
	[tilespmem:$0x13C00] =	vst v63  }
.LBB2_2:
0x18: {  	_ =	swait.ge [sflag:s15], $0x4000  }
0x19: {  	p0 =	seq.s32 s21, $0x0;
	[sflag:s15] =	ssyncset.done $0x0  }
0x1a: {  	s23 =	simm.s32 @!p0 $0x3;
	[sflag:s15] =	ssyncadd.s32 $0xFFFFC000  }
0x1b: {  	_ =	swait.ge @!p0 [sflag:s23], $0x1000  }
0x1c: {  	[sflag:s23] =	ssyncset.done @!p0 $0x0  }
0x1d: {  	[sflag:s23] =	ssyncadd.s32 @!p0 $0xFFFFF000  }
0x1e: {  	_ =	swait.ge @!p0 [sflag:s23], $0x1000  }
0x1f: {  	s22 =	simm.s32 $0x0;
	[sflag:s23] =	ssyncset.done @!p0 $0x0  }
0x20: {  	v2 =	vmov s22;
	[sflag:s23] =	ssyncadd.s32 @!p0 $0xFFFFF000  }
0x21: {  	v2 =	vmul.u32 $0x1100, v2;
	_ =	swait.ge @!p0 [sflag:s23], $0x1000  }
0x22: {  	s22 =	simm.s32 $0x0;
	[sflag:s23] =	ssyncset.done @!p0 $0x0  }
0x23: {  	v3 =	vmov s22;
	v2 =	vbroadcast v2, $0x0;
	[sflag:s23] =	ssyncadd.s32 @!p0 $0xFFFFF000  }
0x24: {  	v4 =	vand.u32 $0x78, v3;
	_ =	swait.ge @!p0 [sflag:s23], $0x1000  }
0x25: {  	v2 =	vor.u32 v2, v4;
	[sflag:s23] =	ssyncset.done @!p0 $0x0  }
0x26: {  	s24 =	simm.s32 $0x3440;
	v3 =	vand.u32 $0x4, v3;
	v5 =	vadd.s32 v0, v2;
	[sflag:s23] =	ssyncadd.s32 @!p0 $0xFFFFF000  }
0x27: {  	v6 =	vor.u32 v3, v5;
	v4 =	vld [tilespmem:s24+$0xFFFFFFC0];
	_ =	sdelay $0x4  }
0x28: {  	v2 =	vadd.s32 v1, v2;
	[tilespmem:v6+s16+$0x0] =	vst.idx.msk $0xffff, v4  }
0x29: {  	v6 =	vor.u32 v3, v2;
	v4 =	vld [tilespmem:s24+$0xFFFFFFD0];
	_ =	sdelay $0x4  }
0x2a: {  	[tilespmem:v6+s16+$0x0] =	vst.idx.msk $0xffff, v4;
	v4 =	vor.u32 $0x1, v3  }
0x2b: {  	v6 =	vld [tilespmem:s24+$0xFFFFFFE0];
	v7 =	vor.u32 v4, v5;
	_ =	sdelay $0x4  }
0x2c: {  	[tilespmem:v7+s16+$0x0] =	vst.idx.msk $0xffff, v6  }
0x2d: {  	v4 =	vor.u32 v4, v2;
	v6 =	vld [tilespmem:s24+$0xFFFFFFF0];
	_ =	sdelay $0x4  }
0x2e: {  	[tilespmem:v4+s16+$0x0] =	vst.idx.msk $0xffff, v6;
	v4 =	vor.u32 $0x2, v3  }
0x2f: {  	v6 =	vld [tilespmem:s24+$0x0];
	v7 =	vor.u32 v4, v5;
	_ =	sdelay $0x4  }
0x30: {  	[tilespmem:v7+s16+$0x0] =	vst.idx.msk $0xffff, v6  }
0x31: {  	v4 =	vor.u32 v4, v2;
	v6 =	vld [tilespmem:s24+$0x10];
	_ =	sdelay $0x4  }
0x32: {  	v3 =	vor.u32 $0x3, v3;
	[tilespmem:v4+s16+$0x0] =	vst.idx.msk $0xffff, v6  }
0x33: {  	v5 =	vor.u32 v3, v5;
	v4 =	vld [tilespmem:s24+$0x20];
	_ =	sdelay $0x3  }
0x34: {  	s26 =	simm.s32 $0x0;
	s25 =	simm.s32 $0x2;
	s23 =	sshll.u32 s21, $0x1  }
.LBB2_3:
0x35: {  	p1 =	sne.s32 s25, $0x7F;
	v6 =	vmov s26;
	[tilespmem:v5+s16+$0x0] =	vst.idx.msk $0xffff, v4  }
0x36: {  	v2 =	vor.u32 v3, v2;
	v4 =	vmul.u32 $0x1100, v6;
	v5 =	vld [tilespmem:s24+$0x30]  }
0x37: {  	s22 =	sadd.s32 $0x4, s22  }
0x38: {  	v3 =	vmov s22;
	v4 =	vbroadcast v4, $0x0  }
0x39: {  	v6 =	vand.u32 $0x78, v3  }
0x3a: {  	v4 =	vor.u32 v4, v6  }
0x3b: {  	s24 =	sadd.s32 $0x80, s24;
	v3 =	vand.u32 $0x4, v3;
	v6 =	vadd.s32 v0, v4;
	[tilespmem:v2+s16+$0x0] =	vst.idx.msk $0xffff, v5  }
0x3c: {  	v2 =	vld [tilespmem:s24+$0xFFFFFFC0];
	v5 =	vor.u32 v3, v6;
	_ =	sdelay $0x4  }
0x3d: {  	[tilespmem:v5+s16+$0x0] =	vst.idx.msk $0xffff, v2;
	v2 =	vadd.s32 v1, v4  }
0x3e: {  	v4 =	vld [tilespmem:s24+$0xFFFFFFD0];
	v5 =	vor.u32 v3, v2;
	_ =	sdelay $0x4  }
0x3f: {  	[tilespmem:v5+s16+$0x0] =	vst.idx.msk $0xffff, v4;
	v4 =	vor.u32 $0x1, v3  }
0x40: {  	v5 =	vld [tilespmem:s24+$0xFFFFFFE0];
	v7 =	vor.u32 v4, v6;
	_ =	sdelay $0x4  }
0x41: {  	[tilespmem:v7+s16+$0x0] =	vst.idx.msk $0xffff, v5  }
0x42: {  	v4 =	vor.u32 v4, v2;
	v5 =	vld [tilespmem:s24+$0xFFFFFFF0];
	_ =	sdelay $0x4  }
0x43: {  	[tilespmem:v4+s16+$0x0] =	vst.idx.msk $0xffff, v5;
	v4 =	vor.u32 $0x2, v3  }
0x44: {  	v5 =	vld [tilespmem:s24+$0x0];
	v7 =	vor.u32 v4, v6;
	_ =	sdelay $0x4  }
0x45: {  	[tilespmem:v7+s16+$0x0] =	vst.idx.msk $0xffff, v5  }
0x46: {  	v4 =	vor.u32 v4, v2;
	v5 =	vld [tilespmem:s24+$0x10];
	_ =	sdelay $0x4  }
0x47: {  	v3 =	vor.u32 $0x3, v3;
	[tilespmem:v4+s16+$0x0] =	vst.idx.msk $0xffff, v5  }
.Ltmp0:
0x48: {  	v5 =	vor.u32 v3, v6;
	v4 =	vld [tilespmem:s24+$0x20];
	(pc) =	sbr.rel @p1 .LBB2_3-.Ltmp0, $2  }
0x49: {  	_ =	sdelay $0x2  }
0x4a: {  	s26 =	sshrl.u32 s25, $0x5;
	s25 =	sadd.s32 $0x1, s25  }
0x4b: {  	_ =	sdelay $0x3  }
0x4c: {  	v6 =	vmov s26;
	[tilespmem:v5+s16+$0x0] =	vst.idx.msk $0xffff, v4  }
0x4d: {  	v2 =	vor.u32 v3, v2;
	v4 =	vmul.u32 $0x1100, v6;
	v5 =	vld [tilespmem:s24+$0x30]  }
0x4e: {  	s22 =	sadd.s32 $0x4, s22  }
0x4f: {  	v3 =	vmov s22;
	v4 =	vbroadcast v4, $0x0  }
0x50: {  	v6 =	vand.u32 $0x78, v3  }
0x51: {  	v4 =	vor.u32 v4, v6  }
0x52: {  	s24 =	sadd.s32 $0x80, s24;
	v3 =	vand.u32 $0x4, v3;
	v6 =	vadd.s32 v0, v4;
	[tilespmem:v2+s16+$0x0] =	vst.idx.msk $0xffff, v5  }
0x53: {  	v2 =	vld [tilespmem:s24+$0xFFFFFFC0];
	v5 =	vor.u32 v3, v6;
	_ =	sdelay $0x4  }
0x54: {  	[tilespmem:v5+s16+$0x0] =	vst.idx.msk $0xffff, v2;
	v2 =	vadd.s32 v1, v4  }
0x55: {  	v4 =	vld [tilespmem:s24+$0xFFFFFFD0];
	v5 =	vor.u32 v3, v2;
	_ =	sdelay $0x4  }
0x56: {  	[tilespmem:v5+s16+$0x0] =	vst.idx.msk $0xffff, v4;
	v4 =	vor.u32 $0x1, v3  }
0x57: {  	v5 =	vld [tilespmem:s24+$0xFFFFFFE0];
	v7 =	vor.u32 v4, v6;
	_ =	sdelay $0x4  }
0x58: {  	[tilespmem:v7+s16+$0x0] =	vst.idx.msk $0xffff, v5  }
0x59: {  	v4 =	vor.u32 v4, v2;
	v5 =	vld [tilespmem:s24+$0xFFFFFFF0];
	_ =	sdelay $0x4  }
0x5a: {  	[tilespmem:v4+s16+$0x0] =	vst.idx.msk $0xffff, v5;
	v4 =	vor.u32 $0x2, v3  }
0x5b: {  	v5 =	vld [tilespmem:s24+$0x0];
	v7 =	vor.u32 v4, v6;
	_ =	sdelay $0x4  }
0x5c: {  	[tilespmem:v7+s16+$0x0] =	vst.idx.msk $0xffff, v5  }
0x5d: {  	v4 =	vor.u32 v4, v2;
	v5 =	vld [tilespmem:s24+$0x10];
	_ =	sdelay $0x4  }
0x5e: {  	v3 =	vor.u32 $0x3, v3;
	[tilespmem:v4+s16+$0x0] =	vst.idx.msk $0xffff, v5  }
0x5f: {  	v5 =	vor.u32 v3, v6;
	v4 =	vld [tilespmem:s24+$0x20];
	_ =	sdelay $0x4  }
0x60: {  	[tilespmem:v5+s16+$0x0] =	vst.idx.msk $0xffff, v4  }
0x61: {  	v2 =	vor.u32 v3, v2;
	v4 =	vld [tilespmem:s24+$0x30];
	_ =	sdelay $0x1  }
0x62: {  	p1 =	seq.s32 s21, $0xC  }
0x63: {  	s22 =	sshll.u32 @!p1 s21, $0xA  }
0x64: {  	s22 =	sand.u32 @!p1 $0x3FFFFC00, s22  }
0x65: {  	s25 =	simm.s32 @!p1 $0x200;
	s26 =	simm.s32 @!p1 $0x3400;
	s24 =	sadd.s32 @!p1 $0x400, s22;
	[tilespmem:v2+s16+$0x0] =	vst.idx.msk $0xffff, v4  }
0x66: {  	[tilespmem:s26], [sflag:$0x1] =	stream.indirect.gather @!p1 [hbm4b:s4+s25], $0x20, s24, s25, $0xb8;
	[tilespmem:$0x13C00] =	vst v63  }
0x67: {  	s25 =	sadd.s32 s6, s23  }
0x68: {  	s26 =	sshll.u32 s25, $0xB;
	s24 =	sshll.u32 s25, $0x9  }
0x69: {  	s25 =	sand.u32 $0xFFF0000, s26;
	s24 =	sand.u32 $0x3C00, s24  }
0x6a: {  	s24 =	sor.u32 s24, s25  }
0x6b: {  	s25 =	sadd.s32 s2, s24  }
0x6c: {  	[hbm4b:s25+s3] =	stream.linear.scatter [tilespmem:s16], [sflag:$0x3], $0x80, $0x38;
	[tilespmem:$0x13C00] =	vst v63  }
0x6d: {  	s28 =	simm.s32 $0xB488;
	s26 =	sadd.s32 $0x10, s25  }
0x6e: {  	[hbm4b:s26+s3] =	stream.linear.scatter [tilespmem:s28], [sflag:$0x3], $0x80, $0x38;
	[tilespmem:$0x13C00] =	vst v63  }
0x6f: {  	s26 =	sadd.s32 $0x20, s25;
	s28 =	simm.s32 $0xB510  }
0x70: {  	[hbm4b:s26+s3] =	stream.linear.scatter [tilespmem:s28], [sflag:$0x3], $0x80, $0x38;
	[tilespmem:$0x13C00] =	vst v63  }
0x71: {  	s26 =	sadd.s32 $0x30, s25;
	s28 =	simm.s32 $0xB598  }
0x72: {  	[hbm4b:s26+s3] =	stream.linear.scatter [tilespmem:s28], [sflag:$0x3], $0x80, $0x38;
	[tilespmem:$0x13C00] =	vst v63  }
0x73: {  	s26 =	sadd.s32 $0x40, s25;
	s28 =	simm.s32 $0xB620  }
0x74: {  	[hbm4b:s26+s3] =	stream.linear.scatter [tilespmem:s28], [sflag:$0x3], $0x80, $0x38;
	[tilespmem:$0x13C00] =	vst v63  }
0x75: {  	s26 =	sadd.s32 $0x50, s25;
	s28 =	simm.s32 $0xB6A8  }
0x76: {  	[hbm4b:s26+s3] =	stream.linear.scatter [tilespmem:s28], [sflag:$0x3], $0x80, $0x38;
	[tilespmem:$0x13C00] =	vst v63  }
0x77: {  	s26 =	sadd.s32 $0x60, s25;
	s28 =	simm.s32 $0xB730  }
0x78: {  	[hbm4b:s26+s3] =	stream.linear.scatter [tilespmem:s28], [sflag:$0x3], $0x80, $0x38;
	[tilespmem:$0x13C00] =	vst v63  }
0x79: {  	s26 =	sadd.s32 $0x70, s25;
	s28 =	simm.s32 $0xB7B8  }
0x7a: {  	[hbm4b:s26+s3] =	stream.linear.scatter [tilespmem:s28], [sflag:$0x3], $0x80, $0x38;
	[tilespmem:$0x13C00] =	vst v63  }
0x7b: {  	s26 =	sadd.s32 $0x80, s25;
	s28 =	simm.s32 $0xC500  }
0x7c: {  	[hbm4b:s26+s3] =	stream.linear.scatter [tilespmem:s28], [sflag:$0x3], $0x80, $0x38;
	[tilespmem:$0x13C00] =	vst v63  }
0x7d: {  	s26 =	sadd.s32 $0x90, s25;
	s28 =	simm.s32 $0xC588  }
0x7e: {  	[hbm4b:s26+s3] =	stream.linear.scatter [tilespmem:s28], [sflag:$0x3], $0x80, $0x38;
	[tilespmem:$0x13C00] =	vst v63  }
0x7f: {  	s26 =	sadd.s32 $0xA0, s25;
	s28 =	simm.s32 $0xC610  }
0x80: {  	[hbm4b:s26+s3] =	stream.linear.scatter [tilespmem:s28], [sflag:$0x3], $0x80, $0x38;
	[tilespmem:$0x13C00] =	vst v63  }
0x81: {  	s26 =	sadd.s32 $0xB0, s25;
	s28 =	simm.s32 $0xC698  }
0x82: {  	[hbm4b:s26+s3] =	stream.linear.scatter [tilespmem:s28], [sflag:$0x3], $0x80, $0x38;
	[tilespmem:$0x13C00] =	vst v63  }
0x83: {  	s26 =	sadd.s32 $0xC0, s25;
	s28 =	simm.s32 $0xC720  }
0x84: {  	[hbm4b:s26+s3] =	stream.linear.scatter [tilespmem:s28], [sflag:$0x3], $0x80, $0x38;
	[tilespmem:$0x13C00] =	vst v63  }
0x85: {  	s26 =	sadd.s32 $0xD0, s25;
	s28 =	simm.s32 $0xC7A8  }
0x86: {  	[hbm4b:s26+s3] =	stream.linear.scatter [tilespmem:s28], [sflag:$0x3], $0x80, $0x38;
	[tilespmem:$0x13C00] =	vst v63  }
0x87: {  	s26 =	sadd.s32 $0xE0, s25;
	s28 =	simm.s32 $0xC830  }
0x88: {  	[hbm4b:s26+s3] =	stream.linear.scatter [tilespmem:s28], [sflag:$0x3], $0x80, $0x38;
	[tilespmem:$0x13C00] =	vst v63  }
0x89: {  	s26 =	sadd.s32 $0xF0, s25;
	s28 =	simm.s32 $0xC8B8  }
0x8a: {  	[hbm4b:s26+s3] =	stream.linear.scatter [tilespmem:s28], [sflag:$0x3], $0x80, $0x38;
	[tilespmem:$0x13C00] =	vst v63  }
0x8b: {  	s26 =	sadd.s32 $0x100, s25;
	s28 =	simm.s32 $0xD600  }
0x8c: {  	[hbm4b:s26+s3] =	stream.linear.scatter [tilespmem:s28], [sflag:$0x3], $0x80, $0x38;
	[tilespmem:$0x13C00] =	vst v63  }
0x8d: {  	s26 =	sadd.s32 $0x110, s25;
	s28 =	simm.s32 $0xD688  }
0x8e: {  	[hbm4b:s26+s3] =	stream.linear.scatter [tilespmem:s28], [sflag:$0x3], $0x80, $0x38;
	[tilespmem:$0x13C00] =	vst v63  }
0x8f: {  	s26 =	sadd.s32 $0x120, s25;
	s28 =	simm.s32 $0xD710  }
0x90: {  	[hbm4b:s26+s3] =	stream.linear.scatter [tilespmem:s28], [sflag:$0x3], $0x80, $0x38;
	[tilespmem:$0x13C00] =	vst v63  }
0x91: {  	s26 =	sadd.s32 $0x130, s25;
	s28 =	simm.s32 $0xD798  }
0x92: {  	[hbm4b:s26+s3] =	stream.linear.scatter [tilespmem:s28], [sflag:$0x3], $0x80, $0x38;
	[tilespmem:$0x13C00] =	vst v63  }
0x93: {  	s26 =	sadd.s32 $0x140, s25;
	s28 =	simm.s32 $0xD820  }
0x94: {  	[hbm4b:s26+s3] =	stream.linear.scatter [tilespmem:s28], [sflag:$0x3], $0x80, $0x38;
	[tilespmem:$0x13C00] =	vst v63  }
0x95: {  	s26 =	sadd.s32 $0x150, s25;
	s28 =	simm.s32 $0xD8A8  }
0x96: {  	[hbm4b:s26+s3] =	stream.linear.scatter [tilespmem:s28], [sflag:$0x3], $0x80, $0x38;
	[tilespmem:$0x13C00] =	vst v63  }
0x97: {  	s26 =	sadd.s32 $0x160, s25;
	s28 =	simm.s32 $0xD930  }
0x98: {  	[hbm4b:s26+s3] =	stream.linear.scatter [tilespmem:s28], [sflag:$0x3], $0x80, $0x38;
	[tilespmem:$0x13C00] =	vst v63  }
0x99: {  	s26 =	sadd.s32 $0x170, s25;
	s28 =	simm.s32 $0xD9B8  }
0x9a: {  	[hbm4b:s26+s3] =	stream.linear.scatter [tilespmem:s28], [sflag:$0x3], $0x80, $0x38;
	[tilespmem:$0x13C00] =	vst v63  }
0x9b: {  	s26 =	sadd.s32 $0x180, s25;
	s28 =	simm.s32 $0xE700  }
0x9c: {  	[hbm4b:s26+s3] =	stream.linear.scatter [tilespmem:s28], [sflag:$0x3], $0x80, $0x38;
	[tilespmem:$0x13C00] =	vst v63  }
0x9d: {  	s26 =	sadd.s32 $0x190, s25;
	s28 =	simm.s32 $0xE788  }
0x9e: {  	[hbm4b:s26+s3] =	stream.linear.scatter [tilespmem:s28], [sflag:$0x3], $0x80, $0x38;
	[tilespmem:$0x13C00] =	vst v63  }
0x9f: {  	s26 =	sadd.s32 $0x1A0, s25;
	s28 =	simm.s32 $0xE810  }
0xa0: {  	[hbm4b:s26+s3] =	stream.linear.scatter [tilespmem:s28], [sflag:$0x3], $0x80, $0x38;
	[tilespmem:$0x13C00] =	vst v63  }
0xa1: {  	s26 =	sadd.s32 $0x1B0, s25;
	s28 =	simm.s32 $0xE898  }
0xa2: {  	[hbm4b:s26+s3] =	stream.linear.scatter [tilespmem:s28], [sflag:$0x3], $0x80, $0x38;
	[tilespmem:$0x13C00] =	vst v63  }
0xa3: {  	s26 =	sadd.s32 $0x1C0, s25;
	s28 =	simm.s32 $0xE920  }
0xa4: {  	[hbm4b:s26+s3] =	stream.linear.scatter [tilespmem:s28], [sflag:$0x3], $0x80, $0x38;
	[tilespmem:$0x13C00] =	vst v63  }
0xa5: {  	s26 =	sadd.s32 $0x1D0, s25;
	s28 =	simm.s32 $0xE9A8  }
0xa6: {  	[hbm4b:s26+s3] =	stream.linear.scatter [tilespmem:s28], [sflag:$0x3], $0x80, $0x38;
	[tilespmem:$0x13C00] =	vst v63  }
0xa7: {  	s26 =	sadd.s32 $0x1E0, s25;
	s28 =	simm.s32 $0xEA30  }
0xa8: {  	[hbm4b:s26+s3] =	stream.linear.scatter [tilespmem:s28], [sflag:$0x3], $0x80, $0x38;
	[tilespmem:$0x13C00] =	vst v63  }
0xa9: {  	s25 =	sadd.s32 $0x1F0, s25;
	s26 =	simm.s32 $0xEAB8  }
0xaa: {  	[hbm4b:s25+s3] =	stream.linear.scatter [tilespmem:s26], [sflag:$0x3], $0x80, $0x38;
	[tilespmem:$0x13C00] =	vst v63  }
0xab: {  	s25 =	sadd.s32 s24, s7;
	s26 =	simm.s32 $0xB840  }
0xac: {  	[hbm4b:s25+s3] =	stream.linear.scatter [tilespmem:s26], [sflag:$0x3], $0x80, $0x38;
	[tilespmem:$0x13C00] =	vst v63  }
0xad: {  	s28 =	simm.s32 $0xB8C8;
	s26 =	sadd.s32 $0x10, s25  }
0xae: {  	[hbm4b:s26+s3] =	stream.linear.scatter [tilespmem:s28], [sflag:$0x3], $0x80, $0x38;
	[tilespmem:$0x13C00] =	vst v63  }
0xaf: {  	s26 =	sadd.s32 $0x20, s25;
	s28 =	simm.s32 $0xB950  }
0xb0: {  	[hbm4b:s26+s3] =	stream.linear.scatter [tilespmem:s28], [sflag:$0x3], $0x80, $0x38;
	[tilespmem:$0x13C00] =	vst v63  }
0xb1: {  	s26 =	sadd.s32 $0x30, s25;
	s28 =	simm.s32 $0xB9D8  }
0xb2: {  	[hbm4b:s26+s3] =	stream.linear.scatter [tilespmem:s28], [sflag:$0x3], $0x80, $0x38;
	[tilespmem:$0x13C00] =	vst v63  }
0xb3: {  	s26 =	sadd.s32 $0x40, s25;
	s28 =	simm.s32 $0xBA60  }
0xb4: {  	[hbm4b:s26+s3] =	stream.linear.scatter [tilespmem:s28], [sflag:$0x3], $0x80, $0x38;
	[tilespmem:$0x13C00] =	vst v63  }
0xb5: {  	s26 =	sadd.s32 $0x50, s25;
	s28 =	simm.s32 $0xBAE8  }
0xb6: {  	[hbm4b:s26+s3] =	stream.linear.scatter [tilespmem:s28], [sflag:$0x3], $0x80, $0x38;
	[tilespmem:$0x13C00] =	vst v63  }
0xb7: {  	s26 =	sadd.s32 $0x60, s25;
	s28 =	simm.s32 $0xBB70  }
0xb8: {  	[hbm4b:s26+s3] =	stream.linear.scatter [tilespmem:s28], [sflag:$0x3], $0x80, $0x38;
	[tilespmem:$0x13C00] =	vst v63  }
0xb9: {  	s26 =	sadd.s32 $0x70, s25;
	s28 =	simm.s32 $0xBBF8  }
0xba: {  	[hbm4b:s26+s3] =	stream.linear.scatter [tilespmem:s28], [sflag:$0x3], $0x80, $0x38;
	[tilespmem:$0x13C00] =	vst v63  }
0xbb: {  	s26 =	sadd.s32 $0x80, s25;
	s28 =	simm.s32 $0xC940  }
0xbc: {  	[hbm4b:s26+s3] =	stream.linear.scatter [tilespmem:s28], [sflag:$0x3], $0x80, $0x38;
	[tilespmem:$0x13C00] =	vst v63  }
0xbd: {  	s26 =	sadd.s32 $0x90, s25;
	s28 =	simm.s32 $0xC9C8  }
0xbe: {  	[hbm4b:s26+s3] =	stream.linear.scatter [tilespmem:s28], [sflag:$0x3], $0x80, $0x38;
	[tilespmem:$0x13C00] =	vst v63  }
0xbf: {  	s26 =	sadd.s32 $0xA0, s25;
	s28 =	simm.s32 $0xCA50  }
0xc0: {  	[hbm4b:s26+s3] =	stream.linear.scatter [tilespmem:s28], [sflag:$0x3], $0x80, $0x38;
	[tilespmem:$0x13C00] =	vst v63  }
0xc1: {  	s26 =	sadd.s32 $0xB0, s25;
	s28 =	simm.s32 $0xCAD8  }
0xc2: {  	[hbm4b:s26+s3] =	stream.linear.scatter [tilespmem:s28], [sflag:$0x3], $0x80, $0x38;
	[tilespmem:$0x13C00] =	vst v63  }
0xc3: {  	s26 =	sadd.s32 $0xC0, s25;
	s28 =	simm.s32 $0xCB60  }
0xc4: {  	[hbm4b:s26+s3] =	stream.linear.scatter [tilespmem:s28], [sflag:$0x3], $0x80, $0x38;
	[tilespmem:$0x13C00] =	vst v63  }
0xc5: {  	s26 =	sadd.s32 $0xD0, s25;
	s28 =	simm.s32 $0xCBE8  }
0xc6: {  	[hbm4b:s26+s3] =	stream.linear.scatter [tilespmem:s28], [sflag:$0x3], $0x80, $0x38;
	[tilespmem:$0x13C00] =	vst v63  }
0xc7: {  	s26 =	sadd.s32 $0xE0, s25;
	s28 =	simm.s32 $0xCC70  }
0xc8: {  	[hbm4b:s26+s3] =	stream.linear.scatter [tilespmem:s28], [sflag:$0x3], $0x80, $0x38;
	[tilespmem:$0x13C00] =	vst v63  }
0xc9: {  	s26 =	sadd.s32 $0xF0, s25;
	s28 =	simm.s32 $0xCCF8  }
0xca: {  	[hbm4b:s26+s3] =	stream.linear.scatter [tilespmem:s28], [sflag:$0x3], $0x80, $0x38;
	[tilespmem:$0x13C00] =	vst v63  }
0xcb: {  	s26 =	sadd.s32 $0x100, s25;
	s28 =	simm.s32 $0xDA40  }
0xcc: {  	[hbm4b:s26+s3] =	stream.linear.scatter [tilespmem:s28], [sflag:$0x3], $0x80, $0x38;
	[tilespmem:$0x13C00] =	vst v63  }
0xcd: {  	s26 =	sadd.s32 $0x110, s25;
	s28 =	simm.s32 $0xDAC8  }
0xce: {  	[hbm4b:s26+s3] =	stream.linear.scatter [tilespmem:s28], [sflag:$0x3], $0x80, $0x38;
	[tilespmem:$0x13C00] =	vst v63  }
0xcf: {  	s26 =	sadd.s32 $0x120, s25;
	s28 =	simm.s32 $0xDB50  }
0xd0: {  	[hbm4b:s26+s3] =	stream.linear.scatter [tilespmem:s28], [sflag:$0x3], $0x80, $0x38;
	[tilespmem:$0x13C00] =	vst v63  }
0xd1: {  	s26 =	sadd.s32 $0x130, s25;
	s28 =	simm.s32 $0xDBD8  }
0xd2: {  	[hbm4b:s26+s3] =	stream.linear.scatter [tilespmem:s28], [sflag:$0x3], $0x80, $0x38;
	[tilespmem:$0x13C00] =	vst v63  }
0xd3: {  	s26 =	sadd.s32 $0x140, s25;
	s28 =	simm.s32 $0xDC60  }
0xd4: {  	[hbm4b:s26+s3] =	stream.linear.scatter [tilespmem:s28], [sflag:$0x3], $0x80, $0x38;
	[tilespmem:$0x13C00] =	vst v63  }
0xd5: {  	s26 =	sadd.s32 $0x150, s25;
	s28 =	simm.s32 $0xDCE8  }
0xd6: {  	[hbm4b:s26+s3] =	stream.linear.scatter [tilespmem:s28], [sflag:$0x3], $0x80, $0x38;
	[tilespmem:$0x13C00] =	vst v63  }
0xd7: {  	s26 =	sadd.s32 $0x160, s25;
	s28 =	simm.s32 $0xDD70  }
0xd8: {  	[hbm4b:s26+s3] =	stream.linear.scatter [tilespmem:s28], [sflag:$0x3], $0x80, $0x38;
	[tilespmem:$0x13C00] =	vst v63  }
0xd9: {  	s26 =	sadd.s32 $0x170, s25;
	s28 =	simm.s32 $0xDDF8  }
0xda: {  	[hbm4b:s26+s3] =	stream.linear.scatter [tilespmem:s28], [sflag:$0x3], $0x80, $0x38;
	[tilespmem:$0x13C00] =	vst v63  }
0xdb: {  	s26 =	sadd.s32 $0x180, s25;
	s28 =	simm.s32 $0xEB40  }
0xdc: {  	[hbm4b:s26+s3] =	stream.linear.scatter [tilespmem:s28], [sflag:$0x3], $0x80, $0x38;
	[tilespmem:$0x13C00] =	vst v63  }
0xdd: {  	s26 =	sadd.s32 $0x190, s25;
	s28 =	simm.s32 $0xEBC8  }
0xde: {  	[hbm4b:s26+s3] =	stream.linear.scatter [tilespmem:s28], [sflag:$0x3], $0x80, $0x38;
	[tilespmem:$0x13C00] =	vst v63  }
0xdf: {  	s26 =	sadd.s32 $0x1A0, s25;
	s28 =	simm.s32 $0xEC50  }
0xe0: {  	[hbm4b:s26+s3] =	stream.linear.scatter [tilespmem:s28], [sflag:$0x3], $0x80, $0x38;
	[tilespmem:$0x13C00] =	vst v63  }
0xe1: {  	s26 =	sadd.s32 $0x1B0, s25;
	s28 =	simm.s32 $0xECD8  }
0xe2: {  	[hbm4b:s26+s3] =	stream.linear.scatter [tilespmem:s28], [sflag:$0x3], $0x80, $0x38;
	[tilespmem:$0x13C00] =	vst v63  }
0xe3: {  	s26 =	sadd.s32 $0x1C0, s25;
	s28 =	simm.s32 $0xED60  }
0xe4: {  	[hbm4b:s26+s3] =	stream.linear.scatter [tilespmem:s28], [sflag:$0x3], $0x80, $0x38;
	[tilespmem:$0x13C00] =	vst v63  }
0xe5: {  	s26 =	sadd.s32 $0x1D0, s25;
	s28 =	simm.s32 $0xEDE8  }
0xe6: {  	[hbm4b:s26+s3] =	stream.linear.scatter [tilespmem:s28], [sflag:$0x3], $0x80, $0x38;
	[tilespmem:$0x13C00] =	vst v63  }
0xe7: {  	s26 =	sadd.s32 $0x1E0, s25;
	s28 =	simm.s32 $0xEE70  }
0xe8: {  	[hbm4b:s26+s3] =	stream.linear.scatter [tilespmem:s28], [sflag:$0x3], $0x80, $0x38;
	[tilespmem:$0x13C00] =	vst v63  }
0xe9: {  	s25 =	sadd.s32 $0x1F0, s25;
	s26 =	simm.s32 $0xEEF8  }
0xea: {  	[hbm4b:s25+s3] =	stream.linear.scatter [tilespmem:s26], [sflag:$0x3], $0x80, $0x38;
	[tilespmem:$0x13C00] =	vst v63  }
0xeb: {  	s25 =	sadd.s32 s24, s8;
	s26 =	simm.s32 $0xBC80  }
0xec: {  	[hbm4b:s25+s3] =	stream.linear.scatter [tilespmem:s26], [sflag:$0x3], $0x80, $0x38;
	[tilespmem:$0x13C00] =	vst v63  }
0xed: {  	s28 =	simm.s32 $0xBD08;
	s26 =	sadd.s32 $0x10, s25  }
0xee: {  	[hbm4b:s26+s3] =	stream.linear.scatter [tilespmem:s28], [sflag:$0x3], $0x80, $0x38;
	[tilespmem:$0x13C00] =	vst v63  }
0xef: {  	s26 =	sadd.s32 $0x20, s25;
	s28 =	simm.s32 $0xBD90  }
0xf0: {  	[hbm4b:s26+s3] =	stream.linear.scatter [tilespmem:s28], [sflag:$0x3], $0x80, $0x38;
	[tilespmem:$0x13C00] =	vst v63  }
0xf1: {  	s26 =	sadd.s32 $0x30, s25;
	s28 =	simm.s32 $0xBE18  }
0xf2: {  	[hbm4b:s26+s3] =	stream.linear.scatter [tilespmem:s28], [sflag:$0x3], $0x80, $0x38;
	[tilespmem:$0x13C00] =	vst v63  }
0xf3: {  	s26 =	sadd.s32 $0x40, s25;
	s28 =	simm.s32 $0xBEA0  }
0xf4: {  	[hbm4b:s26+s3] =	stream.linear.scatter [tilespmem:s28], [sflag:$0x3], $0x80, $0x38;
	[tilespmem:$0x13C00] =	vst v63  }
0xf5: {  	s26 =	sadd.s32 $0x50, s25;
	s28 =	simm.s32 $0xBF28  }
0xf6: {  	[hbm4b:s26+s3] =	stream.linear.scatter [tilespmem:s28], [sflag:$0x3], $0x80, $0x38;
	[tilespmem:$0x13C00] =	vst v63  }
0xf7: {  	s26 =	sadd.s32 $0x60, s25;
	s28 =	simm.s32 $0xBFB0  }
0xf8: {  	[hbm4b:s26+s3] =	stream.linear.scatter [tilespmem:s28], [sflag:$0x3], $0x80, $0x38;
	[tilespmem:$0x13C00] =	vst v63  }
0xf9: {  	s26 =	sadd.s32 $0x70, s25;
	s28 =	simm.s32 $0xC038  }
0xfa: {  	[hbm4b:s26+s3] =	stream.linear.scatter [tilespmem:s28], [sflag:$0x3], $0x80, $0x38;
	[tilespmem:$0x13C00] =	vst v63  }
0xfb: {  	s26 =	sadd.s32 $0x80, s25;
	s28 =	simm.s32 $0xCD80  }
0xfc: {  	[hbm4b:s26+s3] =	stream.linear.scatter [tilespmem:s28], [sflag:$0x3], $0x80, $0x38;
	[tilespmem:$0x13C00] =	vst v63  }
0xfd: {  	s26 =	sadd.s32 $0x90, s25;
	s28 =	simm.s32 $0xCE08  }
0xfe: {  	[hbm4b:s26+s3] =	stream.linear.scatter [tilespmem:s28], [sflag:$0x3], $0x80, $0x38;
	[tilespmem:$0x13C00] =	vst v63  }
0xff: {  	s26 =	sadd.s32 $0xA0, s25;
	s28 =	simm.s32 $0xCE90  }
0x100: {  	[hbm4b:s26+s3] =	stream.linear.scatter [tilespmem:s28], [sflag:$0x3], $0x80, $0x38;
	[tilespmem:$0x13C00] =	vst v63  }
0x101: {  	s26 =	sadd.s32 $0xB0, s25;
	s28 =	simm.s32 $0xCF18  }
0x102: {  	[hbm4b:s26+s3] =	stream.linear.scatter [tilespmem:s28], [sflag:$0x3], $0x80, $0x38;
	[tilespmem:$0x13C00] =	vst v63  }
0x103: {  	s26 =	sadd.s32 $0xC0, s25;
	s28 =	simm.s32 $0xCFA0  }
0x104: {  	[hbm4b:s26+s3] =	stream.linear.scatter [tilespmem:s28], [sflag:$0x3], $0x80, $0x38;
	[tilespmem:$0x13C00] =	vst v63  }
0x105: {  	s26 =	sadd.s32 $0xD0, s25;
	s28 =	simm.s32 $0xD028  }
0x106: {  	[hbm4b:s26+s3] =	stream.linear.scatter [tilespmem:s28], [sflag:$0x3], $0x80, $0x38;
	[tilespmem:$0x13C00] =	vst v63  }
0x107: {  	s26 =	sadd.s32 $0xE0, s25;
	s28 =	simm.s32 $0xD0B0  }
0x108: {  	[hbm4b:s26+s3] =	stream.linear.scatter [tilespmem:s28], [sflag:$0x3], $0x80, $0x38;
	[tilespmem:$0x13C00] =	vst v63  }
0x109: {  	s26 =	sadd.s32 $0xF0, s25;
	s28 =	simm.s32 $0xD138  }
0x10a: {  	[hbm4b:s26+s3] =	stream.linear.scatter [tilespmem:s28], [sflag:$0x3], $0x80, $0x38;
	[tilespmem:$0x13C00] =	vst v63  }
0x10b: {  	s26 =	sadd.s32 $0x100, s25;
	s28 =	simm.s32 $0xDE80  }
0x10c: {  	[hbm4b:s26+s3] =	stream.linear.scatter [tilespmem:s28], [sflag:$0x3], $0x80, $0x38;
	[tilespmem:$0x13C00] =	vst v63  }
0x10d: {  	s26 =	sadd.s32 $0x110, s25;
	s28 =	simm.s32 $0xDF08  }
0x10e: {  	[hbm4b:s26+s3] =	stream.linear.scatter [tilespmem:s28], [sflag:$0x3], $0x80, $0x38;
	[tilespmem:$0x13C00] =	vst v63  }
0x10f: {  	s26 =	sadd.s32 $0x120, s25;
	s28 =	simm.s32 $0xDF90  }
0x110: {  	[hbm4b:s26+s3] =	stream.linear.scatter [tilespmem:s28], [sflag:$0x3], $0x80, $0x38;
	[tilespmem:$0x13C00] =	vst v63  }
0x111: {  	s26 =	sadd.s32 $0x130, s25;
	s28 =	simm.s32 $0xE018  }
0x112: {  	[hbm4b:s26+s3] =	stream.linear.scatter [tilespmem:s28], [sflag:$0x3], $0x80, $0x38;
	[tilespmem:$0x13C00] =	vst v63  }
0x113: {  	s26 =	sadd.s32 $0x140, s25;
	s28 =	simm.s32 $0xE0A0  }
0x114: {  	[hbm4b:s26+s3] =	stream.linear.scatter [tilespmem:s28], [sflag:$0x3], $0x80, $0x38;
	[tilespmem:$0x13C00] =	vst v63  }
0x115: {  	s26 =	sadd.s32 $0x150, s25;
	s28 =	simm.s32 $0xE128  }
0x116: {  	[hbm4b:s26+s3] =	stream.linear.scatter [tilespmem:s28], [sflag:$0x3], $0x80, $0x38;
	[tilespmem:$0x13C00] =	vst v63  }
0x117: {  	s26 =	sadd.s32 $0x160, s25;
	s28 =	simm.s32 $0xE1B0  }
0x118: {  	[hbm4b:s26+s3] =	stream.linear.scatter [tilespmem:s28], [sflag:$0x3], $0x80, $0x38;
	[tilespmem:$0x13C00] =	vst v63  }
0x119: {  	s26 =	sadd.s32 $0x170, s25;
	s28 =	simm.s32 $0xE238  }
0x11a: {  	[hbm4b:s26+s3] =	stream.linear.scatter [tilespmem:s28], [sflag:$0x3], $0x80, $0x38;
	[tilespmem:$0x13C00] =	vst v63  }
0x11b: {  	s26 =	sadd.s32 $0x180, s25;
	s28 =	simm.s32 $0xEF80  }
0x11c: {  	[hbm4b:s26+s3] =	stream.linear.scatter [tilespmem:s28], [sflag:$0x3], $0x80, $0x38;
	[tilespmem:$0x13C00] =	vst v63  }
0x11d: {  	s26 =	sadd.s32 $0x190, s25;
	s28 =	simm.s32 $0xF008  }
0x11e: {  	[hbm4b:s26+s3] =	stream.linear.scatter [tilespmem:s28], [sflag:$0x3], $0x80, $0x38;
	[tilespmem:$0x13C00] =	vst v63  }
0x11f: {  	s26 =	sadd.s32 $0x1A0, s25;
	s28 =	simm.s32 $0xF090  }
0x120: {  	[hbm4b:s26+s3] =	stream.linear.scatter [tilespmem:s28], [sflag:$0x3], $0x80, $0x38;
	[tilespmem:$0x13C00] =	vst v63  }
0x121: {  	s26 =	sadd.s32 $0x1B0, s25;
	s28 =	simm.s32 $0xF118  }
0x122: {  	[hbm4b:s26+s3] =	stream.linear.scatter [tilespmem:s28], [sflag:$0x3], $0x80, $0x38;
	[tilespmem:$0x13C00] =	vst v63  }
0x123: {  	s26 =	sadd.s32 $0x1C0, s25;
	s28 =	simm.s32 $0xF1A0  }
0x124: {  	[hbm4b:s26+s3] =	stream.linear.scatter [tilespmem:s28], [sflag:$0x3], $0x80, $0x38;
	[tilespmem:$0x13C00] =	vst v63  }
0x125: {  	s26 =	sadd.s32 $0x1D0, s25;
	s28 =	simm.s32 $0xF228  }
0x126: {  	[hbm4b:s26+s3] =	stream.linear.scatter [tilespmem:s28], [sflag:$0x3], $0x80, $0x38;
	[tilespmem:$0x13C00] =	vst v63  }
0x127: {  	s26 =	sadd.s32 $0x1E0, s25;
	s28 =	simm.s32 $0xF2B0  }
0x128: {  	[hbm4b:s26+s3] =	stream.linear.scatter [tilespmem:s28], [sflag:$0x3], $0x80, $0x38;
	[tilespmem:$0x13C00] =	vst v63  }
0x129: {  	s25 =	sadd.s32 $0x1F0, s25;
	s26 =	simm.s32 $0xF338  }
0x12a: {  	[hbm4b:s25+s3] =	stream.linear.scatter [tilespmem:s26], [sflag:$0x3], $0x80, $0x38;
	[tilespmem:$0x13C00] =	vst v63  }
0x12b: {  	s24 =	sadd.s32 s24, s9;
	s26 =	simm.s32 $0xC0C0  }
0x12c: {  	[hbm4b:s24+s3] =	stream.linear.scatter [tilespmem:s26], [sflag:$0x3], $0x80, $0x38;
	[tilespmem:$0x13C00] =	vst v63  }
0x12d: {  	s25 =	sadd.s32 $0x10, s24;
	s26 =	simm.s32 $0xC148  }
0x12e: {  	[hbm4b:s25+s3] =	stream.linear.scatter [tilespmem:s26], [sflag:$0x3], $0x80, $0x38;
	[tilespmem:$0x13C00] =	vst v63  }
0x12f: {  	s25 =	sadd.s32 $0x20, s24;
	s26 =	simm.s32 $0xC1D0  }
0x130: {  	[hbm4b:s25+s3] =	stream.linear.scatter [tilespmem:s26], [sflag:$0x3], $0x80, $0x38;
	[tilespmem:$0x13C00] =	vst v63  }
0x131: {  	s25 =	sadd.s32 $0x30, s24;
	s26 =	simm.s32 $0xC258  }
0x132: {  	[hbm4b:s25+s3] =	stream.linear.scatter [tilespmem:s26], [sflag:$0x3], $0x80, $0x38;
	[tilespmem:$0x13C00] =	vst v63  }
0x133: {  	s25 =	sadd.s32 $0x40, s24;
	s26 =	simm.s32 $0xC2E0  }
0x134: {  	[hbm4b:s25+s3] =	stream.linear.scatter [tilespmem:s26], [sflag:$0x3], $0x80, $0x38;
	[tilespmem:$0x13C00] =	vst v63  }
0x135: {  	s25 =	sadd.s32 $0x50, s24;
	s26 =	simm.s32 $0xC368  }
0x136: {  	[hbm4b:s25+s3] =	stream.linear.scatter [tilespmem:s26], [sflag:$0x3], $0x80, $0x38;
	[tilespmem:$0x13C00] =	vst v63  }
0x137: {  	s25 =	sadd.s32 $0x60, s24;
	s26 =	simm.s32 $0xC3F0  }
0x138: {  	[hbm4b:s25+s3] =	stream.linear.scatter [tilespmem:s26], [sflag:$0x3], $0x80, $0x38;
	[tilespmem:$0x13C00] =	vst v63  }
0x139: {  	s25 =	sadd.s32 $0x70, s24;
	s26 =	simm.s32 $0xC478  }
0x13a: {  	[hbm4b:s25+s3] =	stream.linear.scatter [tilespmem:s26], [sflag:$0x3], $0x80, $0x38;
	[tilespmem:$0x13C00] =	vst v63  }
0x13b: {  	s25 =	sadd.s32 $0x80, s24;
	s26 =	simm.s32 $0xD1C0  }
0x13c: {  	[hbm4b:s25+s3] =	stream.linear.scatter [tilespmem:s26], [sflag:$0x3], $0x80, $0x38;
	[tilespmem:$0x13C00] =	vst v63  }
0x13d: {  	s25 =	sadd.s32 $0x90, s24;
	s26 =	simm.s32 $0xD248  }
0x13e: {  	[hbm4b:s25+s3] =	stream.linear.scatter [tilespmem:s26], [sflag:$0x3], $0x80, $0x38;
	[tilespmem:$0x13C00] =	vst v63  }
0x13f: {  	s25 =	sadd.s32 $0xA0, s24;
	s26 =	simm.s32 $0xD2D0  }
0x140: {  	[hbm4b:s25+s3] =	stream.linear.scatter [tilespmem:s26], [sflag:$0x3], $0x80, $0x38;
	[tilespmem:$0x13C00] =	vst v63  }
0x141: {  	s25 =	sadd.s32 $0xB0, s24;
	s26 =	simm.s32 $0xD358  }
0x142: {  	[hbm4b:s25+s3] =	stream.linear.scatter [tilespmem:s26], [sflag:$0x3], $0x80, $0x38;
	[tilespmem:$0x13C00] =	vst v63  }
0x143: {  	s25 =	sadd.s32 $0xC0, s24;
	s26 =	simm.s32 $0xD3E0  }
0x144: {  	[hbm4b:s25+s3] =	stream.linear.scatter [tilespmem:s26], [sflag:$0x3], $0x80, $0x38;
	[tilespmem:$0x13C00] =	vst v63  }
0x145: {  	s25 =	sadd.s32 $0xD0, s24;
	s26 =	simm.s32 $0xD468  }
0x146: {  	[hbm4b:s25+s3] =	stream.linear.scatter [tilespmem:s26], [sflag:$0x3], $0x80, $0x38;
	[tilespmem:$0x13C00] =	vst v63  }
0x147: {  	s25 =	sadd.s32 $0xE0, s24;
	s26 =	simm.s32 $0xD4F0  }
0x148: {  	[hbm4b:s25+s3] =	stream.linear.scatter [tilespmem:s26], [sflag:$0x3], $0x80, $0x38;
	[tilespmem:$0x13C00] =	vst v63  }
0x149: {  	s25 =	sadd.s32 $0xF0, s24;
	s26 =	simm.s32 $0xD578  }
0x14a: {  	[hbm4b:s25+s3] =	stream.linear.scatter [tilespmem:s26], [sflag:$0x3], $0x80, $0x38;
	[tilespmem:$0x13C00] =	vst v63  }
0x14b: {  	s25 =	sadd.s32 $0x100, s24;
	s26 =	simm.s32 $0xE2C0  }
0x14c: {  	[hbm4b:s25+s3] =	stream.linear.scatter [tilespmem:s26], [sflag:$0x3], $0x80, $0x38;
	[tilespmem:$0x13C00] =	vst v63  }
0x14d: {  	s25 =	sadd.s32 $0x110, s24;
	s26 =	simm.s32 $0xE348  }
0x14e: {  	[hbm4b:s25+s3] =	stream.linear.scatter [tilespmem:s26], [sflag:$0x3], $0x80, $0x38;
	[tilespmem:$0x13C00] =	vst v63  }
0x14f: {  	s25 =	sadd.s32 $0x120, s24;
	s26 =	simm.s32 $0xE3D0  }
0x150: {  	[hbm4b:s25+s3] =	stream.linear.scatter [tilespmem:s26], [sflag:$0x3], $0x80, $0x38;
	[tilespmem:$0x13C00] =	vst v63  }
0x151: {  	s25 =	sadd.s32 $0x130, s24;
	s26 =	simm.s32 $0xE458  }
0x152: {  	[hbm4b:s25+s3] =	stream.linear.scatter [tilespmem:s26], [sflag:$0x3], $0x80, $0x38;
	[tilespmem:$0x13C00] =	vst v63  }
0x153: {  	s25 =	sadd.s32 $0x140, s24;
	s26 =	simm.s32 $0xE4E0  }
0x154: {  	[hbm4b:s25+s3] =	stream.linear.scatter [tilespmem:s26], [sflag:$0x3], $0x80, $0x38;
	[tilespmem:$0x13C00] =	vst v63  }
0x155: {  	s25 =	sadd.s32 $0x150, s24;
	s26 =	simm.s32 $0xE568  }
0x156: {  	[hbm4b:s25+s3] =	stream.linear.scatter [tilespmem:s26], [sflag:$0x3], $0x80, $0x38;
	[tilespmem:$0x13C00] =	vst v63  }
0x157: {  	s25 =	sadd.s32 $0x160, s24;
	s26 =	simm.s32 $0xE5F0  }
0x158: {  	[hbm4b:s25+s3] =	stream.linear.scatter [tilespmem:s26], [sflag:$0x3], $0x80, $0x38;
	[tilespmem:$0x13C00] =	vst v63  }
0x159: {  	s25 =	sadd.s32 $0x170, s24;
	s26 =	simm.s32 $0xE678  }
0x15a: {  	[hbm4b:s25+s3] =	stream.linear.scatter [tilespmem:s26], [sflag:$0x3], $0x80, $0x38;
	[tilespmem:$0x13C00] =	vst v63  }
0x15b: {  	s25 =	sadd.s32 $0x180, s24;
	s26 =	simm.s32 $0xF3C0  }
0x15c: {  	[hbm4b:s25+s3] =	stream.linear.scatter [tilespmem:s26], [sflag:$0x3], $0x80, $0x38;
	[tilespmem:$0x13C00] =	vst v63  }
0x15d: {  	s25 =	sadd.s32 $0x190, s24;
	s26 =	simm.s32 $0xF448  }
0x15e: {  	[hbm4b:s25+s3] =	stream.linear.scatter [tilespmem:s26], [sflag:$0x3], $0x80, $0x38;
	[tilespmem:$0x13C00] =	vst v63  }
0x15f: {  	s25 =	sadd.s32 $0x1A0, s24;
	s26 =	simm.s32 $0xF4D0  }
0x160: {  	[hbm4b:s25+s3] =	stream.linear.scatter [tilespmem:s26], [sflag:$0x3], $0x80, $0x38;
	[tilespmem:$0x13C00] =	vst v63  }
0x161: {  	s25 =	sadd.s32 $0x1B0, s24;
	s26 =	simm.s32 $0xF558  }
0x162: {  	[hbm4b:s25+s3] =	stream.linear.scatter [tilespmem:s26], [sflag:$0x3], $0x80, $0x38;
	[tilespmem:$0x13C00] =	vst v63  }
0x163: {  	s25 =	sadd.s32 $0x1C0, s24;
	s26 =	simm.s32 $0xF5E0  }
0x164: {  	[hbm4b:s25+s3] =	stream.linear.scatter [tilespmem:s26], [sflag:$0x3], $0x80, $0x38;
	[tilespmem:$0x13C00] =	vst v63  }
0x165: {  	s25 =	sadd.s32 $0x1D0, s24;
	s26 =	simm.s32 $0xF668  }
0x166: {  	[hbm4b:s25+s3] =	stream.linear.scatter [tilespmem:s26], [sflag:$0x3], $0x80, $0x38;
	[tilespmem:$0x13C00] =	vst v63  }
0x167: {  	s25 =	sadd.s32 $0x1E0, s24;
	s26 =	simm.s32 $0xF6F0  }
0x168: {  	[hbm4b:s25+s3] =	stream.linear.scatter [tilespmem:s26], [sflag:$0x3], $0x80, $0x38;
	[tilespmem:$0x13C00] =	vst v63  }
0x169: {  	s24 =	sadd.s32 $0x1F0, s24;
	s26 =	simm.s32 $0xF778  }
0x16a: {  	[hbm4b:s24+s3] =	stream.linear.scatter [tilespmem:s26], [sflag:$0x3], $0x80, $0x38;
	[tilespmem:$0x13C00] =	vst v63  }
0x16b: {  	_ =	swait.ge [sflag:s14], $0x4000  }
0x16c: {  	[sflag:s14] =	ssyncset.done $0x0  }
0x16d: {  	s25 =	simm.s32 @!p0 $0x4;
	[sflag:s14] =	ssyncadd.s32 $0xFFFFC000  }
0x16e: {  	_ =	swait.ge @!p0 [sflag:s25], $0x1000  }
0x16f: {  	[sflag:s25] =	ssyncset.done @!p0 $0x0  }
0x170: {  	[sflag:s25] =	ssyncadd.s32 @!p0 $0xFFFFF000  }
0x171: {  	_ =	swait.ge @!p0 [sflag:s25], $0x1000  }
0x172: {  	s26 =	simm.s32 $0x0;
	[sflag:s25] =	ssyncset.done @!p0 $0x0  }
0x173: {  	v2 =	vmov s26;
	[sflag:s25] =	ssyncadd.s32 @!p0 $0xFFFFF000  }
0x174: {  	v2 =	vmul.u32 $0x1100, v2;
	_ =	swait.ge @!p0 [sflag:s25], $0x1000  }
0x175: {  	s24 =	simm.s32 $0x0;
	[sflag:s25] =	ssyncset.done @!p0 $0x0  }
0x176: {  	v3 =	vmov s24;
	v2 =	vbroadcast v2, $0x0;
	[sflag:s25] =	ssyncadd.s32 @!p0 $0xFFFFF000  }
0x177: {  	v4 =	vand.u32 $0x78, v3;
	_ =	swait.ge @!p0 [sflag:s25], $0x1000  }
0x178: {  	v2 =	vor.u32 v2, v4;
	[sflag:s25] =	ssyncset.done @!p0 $0x0  }
0x179: {  	v3 =	vand.u32 $0x4, v3;
	v5 =	vadd.s32 v0, v2;
	[sflag:s25] =	ssyncadd.s32 @!p0 $0xFFFFF000;
	s25 =	simm.s32 $0x0  }
0x17a: {  	v6 =	vor.u32 v3, v5;
	v4 =	vld [tilespmem:s25+$0x7400];
	_ =	sdelay $0x4  }
0x17b: {  	v2 =	vadd.s32 v1, v2;
	[tilespmem:v6+s12+$0x0] =	vst.idx.msk $0xffff, v4  }
0x17c: {  	v6 =	vor.u32 v3, v2;
	v4 =	vld [tilespmem:s25+$0x7410];
	_ =	sdelay $0x4  }
0x17d: {  	[tilespmem:v6+s12+$0x0] =	vst.idx.msk $0xffff, v4;
	v4 =	vor.u32 $0x1, v3  }
0x17e: {  	v6 =	vld [tilespmem:s25+$0x7420];
	v7 =	vor.u32 v4, v5;
	_ =	sdelay $0x4  }
0x17f: {  	[tilespmem:v7+s12+$0x0] =	vst.idx.msk $0xffff, v6  }
0x180: {  	v4 =	vor.u32 v4, v2;
	v6 =	vld [tilespmem:s25+$0x7430];
	_ =	sdelay $0x4  }
0x181: {  	[tilespmem:v4+s12+$0x0] =	vst.idx.msk $0xffff, v6;
	v4 =	vor.u32 $0x2, v3  }
0x182: {  	v6 =	vld [tilespmem:s25+$0x7440];
	v7 =	vor.u32 v4, v5;
	_ =	sdelay $0x4  }
0x183: {  	[tilespmem:v7+s12+$0x0] =	vst.idx.msk $0xffff, v6  }
0x184: {  	v4 =	vor.u32 v4, v2;
	v6 =	vld [tilespmem:s25+$0x7450];
	_ =	sdelay $0x4  }
0x185: {  	v3 =	vor.u32 $0x3, v3;
	[tilespmem:v4+s12+$0x0] =	vst.idx.msk $0xffff, v6  }
0x186: {  	v5 =	vor.u32 v3, v5;
	v4 =	vld [tilespmem:s25+$0x7460];
	_ =	sdelay $0x2  }
0x187: {  	s30 =	simm.s32 $0x0;
	s29 =	simm.s32 $0x400  }
0x188: {  	s23 =	sor.u32 $0x1, s23;
	s28 =	simm.s32 $0x1;
	s26 =	simm.s32 $0x200  }
.LBB2_5:
0x189: {  	p0 =	sne.s32 s29, $0xFE00;
	v6 =	vmov s30;
	[tilespmem:v5+s12+$0x0] =	vst.idx.msk $0xffff, v4  }
0x18a: {  	v2 =	vor.u32 v3, v2;
	v4 =	vmul.u32 $0x1100, v6;
	v5 =	vld [tilespmem:s25+$0x7470]  }
0x18b: {  	s24 =	sadd.s32 $0x4, s24  }
0x18c: {  	v3 =	vmov s24;
	v4 =	vbroadcast v4, $0x0  }
0x18d: {  	v6 =	vand.u32 $0x78, v3  }
0x18e: {  	v4 =	vor.u32 v4, v6  }
0x18f: {  	s25 =	sshra.s32 s26, $0x2;
	s26 =	smov.u32 s29;
	v3 =	vand.u32 $0x4, v3;
	v6 =	vadd.s32 v0, v4;
	[tilespmem:v2+s12+$0x0] =	vst.idx.msk $0xffff, v5  }
0x190: {  	v2 =	vld [tilespmem:s25+$0x7400];
	v5 =	vor.u32 v3, v6;
	_ =	sdelay $0x4  }
0x191: {  	[tilespmem:v5+s12+$0x0] =	vst.idx.msk $0xffff, v2;
	v2 =	vadd.s32 v1, v4  }
0x192: {  	v4 =	vld [tilespmem:s25+$0x7410];
	v5 =	vor.u32 v3, v2;
	_ =	sdelay $0x4  }
0x193: {  	[tilespmem:v5+s12+$0x0] =	vst.idx.msk $0xffff, v4;
	v4 =	vor.u32 $0x1, v3  }
0x194: {  	v5 =	vld [tilespmem:s25+$0x7420];
	v7 =	vor.u32 v4, v6;
	_ =	sdelay $0x4  }
0x195: {  	[tilespmem:v7+s12+$0x0] =	vst.idx.msk $0xffff, v5  }
0x196: {  	v4 =	vor.u32 v4, v2;
	v5 =	vld [tilespmem:s25+$0x7430];
	_ =	sdelay $0x4  }
0x197: {  	[tilespmem:v4+s12+$0x0] =	vst.idx.msk $0xffff, v5;
	v4 =	vor.u32 $0x2, v3  }
0x198: {  	v5 =	vld [tilespmem:s25+$0x7440];
	v7 =	vor.u32 v4, v6;
	_ =	sdelay $0x4  }
0x199: {  	[tilespmem:v7+s12+$0x0] =	vst.idx.msk $0xffff, v5  }
0x19a: {  	v4 =	vor.u32 v4, v2;
	v5 =	vld [tilespmem:s25+$0x7450];
	_ =	sdelay $0x4  }
0x19b: {  	v3 =	vor.u32 $0x3, v3;
	[tilespmem:v4+s12+$0x0] =	vst.idx.msk $0xffff, v5  }
.Ltmp1:
0x19c: {  	v5 =	vor.u32 v3, v6;
	v4 =	vld [tilespmem:s25+$0x7460];
	(pc) =	sbr.rel @p0 .LBB2_5-.Ltmp1, $3  }
0x19d: {  	_ =	sdelay $0x1  }
0x19e: {  	s28 =	sadd.s32 $0x1, s28  }
0x19f: {  	s30 =	sshrl.u32 s28, $0x5;
	s29 =	sadd.s32 $0x200, s29  }
0x1a0: {  	_ =	sdelay $0x3  }
0x1a1: {  	v6 =	vmov s30;
	[tilespmem:v5+s12+$0x0] =	vst.idx.msk $0xffff, v4  }
0x1a2: {  	v2 =	vor.u32 v3, v2;
	v4 =	vld [tilespmem:s25+$0x7470];
	v57 =	vmul.u32 $0x1100, v6  }
0x1a3: {  	s24 =	sadd.s32 $0x4, s24  }
0x1a4: {  	v3 =	vmov s24;
	v5 =	vbroadcast v57, $0x0  }
0x1a5: {  	v58 =	vand.u32 $0x78, v3  }
0x1a6: {  	v5 =	vor.u32 v5, v58  }
0x1a7: {  	s30 =	sshra.s32 s26, $0x2;
	v3 =	vand.u32 $0x4, v3;
	v6 =	vadd.s32 v0, v5;
	[tilespmem:v2+s12+$0x0] =	vst.idx.msk $0xffff, v4  }
0x1a8: {  	v2 =	vld [tilespmem:s30+$0x7400];
	v59 =	vor.u32 v3, v6;
	_ =	sdelay $0x4  }
0x1a9: {  	[tilespmem:v59+s12+$0x0] =	vst.idx.msk $0xffff, v2;
	v2 =	vadd.s32 v1, v5  }
0x1aa: {  	v4 =	vld [tilespmem:s30+$0x7410];
	v5 =	vor.u32 v3, v2;
	_ =	sdelay $0x4  }
0x1ab: {  	v60 =	vor.u32 $0x1, v3;
	[tilespmem:v5+s12+$0x0] =	vst.idx.msk $0xffff, v4  }
0x1ac: {  	v7 =	vor.u32 v60, v6;
	v5 =	vld [tilespmem:s30+$0x7420];
	_ =	sdelay $0x4  }
0x1ad: {  	[tilespmem:v7+s12+$0x0] =	vst.idx.msk $0xffff, v5  }
0x1ae: {  	v4 =	vor.u32 v60, v2;
	v5 =	vld [tilespmem:s30+$0x7430];
	_ =	sdelay $0x4  }
0x1af: {  	v61 =	vor.u32 $0x2, v3;
	[tilespmem:v4+s12+$0x0] =	vst.idx.msk $0xffff, v5  }
0x1b0: {  	v62 =	vor.u32 v61, v6;
	v5 =	vld [tilespmem:s30+$0x7440];
	_ =	sdelay $0x4  }
0x1b1: {  	[tilespmem:v62+s12+$0x0] =	vst.idx.msk $0xffff, v5  }
0x1b2: {  	v4 =	vor.u32 v61, v2;
	v5 =	vld [tilespmem:s30+$0x7450];
	_ =	sdelay $0x4  }
0x1b3: {  	v3 =	vor.u32 $0x3, v3;
	[tilespmem:v4+s12+$0x0] =	vst.idx.msk $0xffff, v5  }
0x1b4: {  	v63 =	vor.u32 v3, v6;
	v4 =	vld [tilespmem:s30+$0x7460];
	_ =	sdelay $0x4  }
0x1b5: {  	[tilespmem:v63+s12+$0x0] =	vst.idx.msk $0xffff, v4  }
0x1b6: {  	v2 =	vor.u32 v3, v2;
	v4 =	vld [tilespmem:s30+$0x7470];
	_ =	sdelay $0x4  }
0x1b7: {  	s22 =	sadd.s32 @!p1 $0x600, s22;
	s24 =	simm.s32 @!p1 $0x200;
	s25 =	simm.s32 @!p1 $0x7400;
	[tilespmem:v2+s12+$0x0] =	vst.idx.msk $0xffff, v4  }
0x1b8: {  	[tilespmem:s25], [sflag:$0x2] =	stream.indirect.gather @!p1 [hbm4b:s4+s24], $0x20, s22, s24, $0xb8;
	[tilespmem:$0x13C00] =	vst v63  }
0x1b9: {  	s25 =	sadd.s32 s6, s23  }
0x1ba: {  	s23 =	sshll.u32 s25, $0xB;
	s22 =	sshll.u32 s25, $0x9  }
0x1bb: {  	s23 =	sand.u32 $0xFFF0000, s23;
	s22 =	sand.u32 $0x3E00, s22  }
0x1bc: {  	s22 =	sor.u32 s22, s23  }
0x1bd: {  	s23 =	sadd.s32 s2, s22  }
0x1be: {  	[hbm4b:s23+s3] =	stream.linear.scatter [tilespmem:s12], [sflag:$0x4], $0x80, $0x38;
	[tilespmem:$0x13C00] =	vst v63  }
0x1bf: {  	s28 =	simm.s32 $0xF888;
	s26 =	sadd.s32 $0x10, s23  }
0x1c0: {  	[hbm4b:s26+s3] =	stream.linear.scatter [tilespmem:s28], [sflag:$0x4], $0x80, $0x38;
	[tilespmem:$0x13C00] =	vst v63  }
0x1c1: {  	s30 =	simm.s32 $0xF910;
	s29 =	sadd.s32 $0x20, s23  }
0x1c2: {  	[hbm4b:s29+s3] =	stream.linear.scatter [tilespmem:s30], [sflag:$0x4], $0x80, $0x38;
	[tilespmem:$0x13C00] =	vst v63  }
0x1c3: {  	s26 =	sadd.s32 $0x30, s23;
	s28 =	simm.s32 $0xF998  }
0x1c4: {  	[hbm4b:s26+s3] =	stream.linear.scatter [tilespmem:s28], [sflag:$0x4], $0x80, $0x38;
	[tilespmem:$0x13C00] =	vst v63  }
0x1c5: {  	s29 =	sadd.s32 $0x40, s23;
	s30 =	simm.s32 $0xFA20  }
0x1c6: {  	[hbm4b:s29+s3] =	stream.linear.scatter [tilespmem:s30], [sflag:$0x4], $0x80, $0x38;
	[tilespmem:$0x13C00] =	vst v63  }
0x1c7: {  	s26 =	sadd.s32 $0x50, s23;
	s28 =	simm.s32 $0xFAA8  }
0x1c8: {  	[hbm4b:s26+s3] =	stream.linear.scatter [tilespmem:s28], [sflag:$0x4], $0x80, $0x38;
	[tilespmem:$0x13C00] =	vst v63  }
0x1c9: {  	s29 =	sadd.s32 $0x60, s23;
	s30 =	simm.s32 $0xFB30  }
0x1ca: {  	[hbm4b:s29+s3] =	stream.linear.scatter [tilespmem:s30], [sflag:$0x4], $0x80, $0x38;
	[tilespmem:$0x13C00] =	vst v63  }
0x1cb: {  	s26 =	sadd.s32 $0x70, s23;
	s28 =	simm.s32 $0xFBB8  }
0x1cc: {  	[hbm4b:s26+s3] =	stream.linear.scatter [tilespmem:s28], [sflag:$0x4], $0x80, $0x38;
	[tilespmem:$0x13C00] =	vst v63  }
0x1cd: {  	s29 =	sadd.s32 $0x80, s23;
	s30 =	simm.s32 $0x10900  }
0x1ce: {  	[hbm4b:s29+s3] =	stream.linear.scatter [tilespmem:s30], [sflag:$0x4], $0x80, $0x38;
	[tilespmem:$0x13C00] =	vst v63  }
0x1cf: {  	s26 =	sadd.s32 $0x90, s23;
	s28 =	simm.s32 $0x10988  }
0x1d0: {  	[hbm4b:s26+s3] =	stream.linear.scatter [tilespmem:s28], [sflag:$0x4], $0x80, $0x38;
	[tilespmem:$0x13C00] =	vst v63  }
0x1d1: {  	s29 =	sadd.s32 $0xA0, s23;
	s30 =	simm.s32 $0x10A10  }
0x1d2: {  	[hbm4b:s29+s3] =	stream.linear.scatter [tilespmem:s30], [sflag:$0x4], $0x80, $0x38;
	[tilespmem:$0x13C00] =	vst v63  }
0x1d3: {  	s26 =	sadd.s32 $0xB0, s23;
	s28 =	simm.s32 $0x10A98  }
0x1d4: {  	[hbm4b:s26+s3] =	stream.linear.scatter [tilespmem:s28], [sflag:$0x4], $0x80, $0x38;
	[tilespmem:$0x13C00] =	vst v63  }
0x1d5: {  	s29 =	sadd.s32 $0xC0, s23;
	s30 =	simm.s32 $0x10B20  }
0x1d6: {  	[hbm4b:s29+s3] =	stream.linear.scatter [tilespmem:s30], [sflag:$0x4], $0x80, $0x38;
	[tilespmem:$0x13C00] =	vst v63  }
0x1d7: {  	s26 =	sadd.s32 $0xD0, s23;
	s28 =	simm.s32 $0x10BA8  }
0x1d8: {  	[hbm4b:s26+s3] =	stream.linear.scatter [tilespmem:s28], [sflag:$0x4], $0x80, $0x38;
	[tilespmem:$0x13C00] =	vst v63  }
0x1d9: {  	s29 =	sadd.s32 $0xE0, s23;
	s30 =	simm.s32 $0x10C30  }
0x1da: {  	[hbm4b:s29+s3] =	stream.linear.scatter [tilespmem:s30], [sflag:$0x4], $0x80, $0x38;
	[tilespmem:$0x13C00] =	vst v63  }
0x1db: {  	s26 =	sadd.s32 $0xF0, s23;
	s28 =	simm.s32 $0x10CB8  }
0x1dc: {  	[hbm4b:s26+s3] =	stream.linear.scatter [tilespmem:s28], [sflag:$0x4], $0x80, $0x38;
	[tilespmem:$0x13C00] =	vst v63  }
0x1dd: {  	s29 =	sadd.s32 $0x100, s23;
	s30 =	simm.s32 $0x11A00  }
0x1de: {  	[hbm4b:s29+s3] =	stream.linear.scatter [tilespmem:s30], [sflag:$0x4], $0x80, $0x38;
	[tilespmem:$0x13C00] =	vst v63  }
0x1df: {  	s26 =	sadd.s32 $0x110, s23;
	s28 =	simm.s32 $0x11A88  }
0x1e0: {  	[hbm4b:s26+s3] =	stream.linear.scatter [tilespmem:s28], [sflag:$0x4], $0x80, $0x38;
	[tilespmem:$0x13C00] =	vst v63  }
0x1e1: {  	s29 =	sadd.s32 $0x120, s23;
	s30 =	simm.s32 $0x11B10  }
0x1e2: {  	[hbm4b:s29+s3] =	stream.linear.scatter [tilespmem:s30], [sflag:$0x4], $0x80, $0x38;
	[tilespmem:$0x13C00] =	vst v63  }
0x1e3: {  	s26 =	sadd.s32 $0x130, s23;
	s28 =	simm.s32 $0x11B98  }
0x1e4: {  	[hbm4b:s26+s3] =	stream.linear.scatter [tilespmem:s28], [sflag:$0x4], $0x80, $0x38;
	[tilespmem:$0x13C00] =	vst v63  }
0x1e5: {  	s29 =	sadd.s32 $0x140, s23;
	s30 =	simm.s32 $0x11C20  }
0x1e6: {  	[hbm4b:s29+s3] =	stream.linear.scatter [tilespmem:s30], [sflag:$0x4], $0x80, $0x38;
	[tilespmem:$0x13C00] =	vst v63  }
0x1e7: {  	s26 =	sadd.s32 $0x150, s23;
	s28 =	simm.s32 $0x11CA8  }
0x1e8: {  	[hbm4b:s26+s3] =	stream.linear.scatter [tilespmem:s28], [sflag:$0x4], $0x80, $0x38;
	[tilespmem:$0x13C00] =	vst v63  }
0x1e9: {  	s29 =	sadd.s32 $0x160, s23;
	s30 =	simm.s32 $0x11D30  }
0x1ea: {  	[hbm4b:s29+s3] =	stream.linear.scatter [tilespmem:s30], [sflag:$0x4], $0x80, $0x38;
	[tilespmem:$0x13C00] =	vst v63  }
0x1eb: {  	s26 =	sadd.s32 $0x170, s23;
	s28 =	simm.s32 $0x11DB8  }
0x1ec: {  	[hbm4b:s26+s3] =	stream.linear.scatter [tilespmem:s28], [sflag:$0x4], $0x80, $0x38;
	[tilespmem:$0x13C00] =	vst v63  }
0x1ed: {  	s29 =	sadd.s32 $0x180, s23;
	s30 =	simm.s32 $0x12B00  }
0x1ee: {  	[hbm4b:s29+s3] =	stream.linear.scatter [tilespmem:s30], [sflag:$0x4], $0x80, $0x38;
	[tilespmem:$0x13C00] =	vst v63  }
0x1ef: {  	s26 =	sadd.s32 $0x190, s23;
	s28 =	simm.s32 $0x12B88  }
0x1f0: {  	[hbm4b:s26+s3] =	stream.linear.scatter [tilespmem:s28], [sflag:$0x4], $0x80, $0x38;
	[tilespmem:$0x13C00] =	vst v63  }
0x1f1: {  	s29 =	sadd.s32 $0x1A0, s23;
	s30 =	simm.s32 $0x12C10  }
0x1f2: {  	[hbm4b:s29+s3] =	stream.linear.scatter [tilespmem:s30], [sflag:$0x4], $0x80, $0x38;
	[tilespmem:$0x13C00] =	vst v63  }
0x1f3: {  	s26 =	sadd.s32 $0x1B0, s23;
	s28 =	simm.s32 $0x12C98  }
0x1f4: {  	[hbm4b:s26+s3] =	stream.linear.scatter [tilespmem:s28], [sflag:$0x4], $0x80, $0x38;
	[tilespmem:$0x13C00] =	vst v63  }
0x1f5: {  	s29 =	sadd.s32 $0x1C0, s23;
	s30 =	simm.s32 $0x12D20  }
0x1f6: {  	[hbm4b:s29+s3] =	stream.linear.scatter [tilespmem:s30], [sflag:$0x4], $0x80, $0x38;
	[tilespmem:$0x13C00] =	vst v63  }
0x1f7: {  	s25 =	sadd.s32 $0x1D0, s23;
	s26 =	simm.s32 $0x12DA8  }
0x1f8: {  	[hbm4b:s25+s3] =	stream.linear.scatter [tilespmem:s26], [sflag:$0x4], $0x80, $0x38;
	[tilespmem:$0x13C00] =	vst v63  }
0x1f9: {  	s28 =	sadd.s32 $0x1E0, s23;
	s29 =	simm.s32 $0x12E30  }
0x1fa: {  	[hbm4b:s28+s3] =	stream.linear.scatter [tilespmem:s29], [sflag:$0x4], $0x80, $0x38;
	[tilespmem:$0x13C00] =	vst v63  }
0x1fb: {  	s23 =	sadd.s32 $0x1F0, s23;
	s30 =	simm.s32 $0x12EB8  }
0x1fc: {  	[hbm4b:s23+s3] =	stream.linear.scatter [tilespmem:s30], [sflag:$0x4], $0x80, $0x38;
	[tilespmem:$0x13C00] =	vst v63  }
0x1fd: {  	s25 =	simm.s32 $0xFC40;
	s23 =	sadd.s32 s22, s7  }
0x1fe: {  	[hbm4b:s23+s3] =	stream.linear.scatter [tilespmem:s25], [sflag:$0x4], $0x80, $0x38;
	[tilespmem:$0x13C00] =	vst v63  }
0x1ff: {  	s28 =	simm.s32 $0xFCC8;
	s26 =	sadd.s32 $0x10, s23  }
0x200: {  	[hbm4b:s26+s3] =	stream.linear.scatter [tilespmem:s28], [sflag:$0x4], $0x80, $0x38;
	[tilespmem:$0x13C00] =	vst v63  }
0x201: {  	s30 =	simm.s32 $0xFD50;
	s29 =	sadd.s32 $0x20, s23  }
0x202: {  	[hbm4b:s29+s3] =	stream.linear.scatter [tilespmem:s30], [sflag:$0x4], $0x80, $0x38;
	[tilespmem:$0x13C00] =	vst v63  }
0x203: {  	s26 =	sadd.s32 $0x30, s23;
	s28 =	simm.s32 $0xFDD8  }
0x204: {  	[hbm4b:s26+s3] =	stream.linear.scatter [tilespmem:s28], [sflag:$0x4], $0x80, $0x38;
	[tilespmem:$0x13C00] =	vst v63  }
0x205: {  	s29 =	sadd.s32 $0x40, s23;
	s30 =	simm.s32 $0xFE60  }
0x206: {  	[hbm4b:s29+s3] =	stream.linear.scatter [tilespmem:s30], [sflag:$0x4], $0x80, $0x38;
	[tilespmem:$0x13C00] =	vst v63  }
0x207: {  	s26 =	sadd.s32 $0x50, s23;
	s28 =	simm.s32 $0xFEE8  }
0x208: {  	[hbm4b:s26+s3] =	stream.linear.scatter [tilespmem:s28], [sflag:$0x4], $0x80, $0x38;
	[tilespmem:$0x13C00] =	vst v63  }
0x209: {  	s29 =	sadd.s32 $0x60, s23;
	s30 =	simm.s32 $0xFF70  }
0x20a: {  	[hbm4b:s29+s3] =	stream.linear.scatter [tilespmem:s30], [sflag:$0x4], $0x80, $0x38;
	[tilespmem:$0x13C00] =	vst v63  }
0x20b: {  	s26 =	sadd.s32 $0x70, s23;
	s28 =	simm.s32 $0xFFF8  }
0x20c: {  	[hbm4b:s26+s3] =	stream.linear.scatter [tilespmem:s28], [sflag:$0x4], $0x80, $0x38;
	[tilespmem:$0x13C00] =	vst v63  }
0x20d: {  	s29 =	sadd.s32 $0x80, s23;
	s30 =	simm.s32 $0x10D40  }
0x20e: {  	[hbm4b:s29+s3] =	stream.linear.scatter [tilespmem:s30], [sflag:$0x4], $0x80, $0x38;
	[tilespmem:$0x13C00] =	vst v63  }
0x20f: {  	s26 =	sadd.s32 $0x90, s23;
	s28 =	simm.s32 $0x10DC8  }
0x210: {  	[hbm4b:s26+s3] =	stream.linear.scatter [tilespmem:s28], [sflag:$0x4], $0x80, $0x38;
	[tilespmem:$0x13C00] =	vst v63  }
0x211: {  	s29 =	sadd.s32 $0xA0, s23;
	s30 =	simm.s32 $0x10E50  }
0x212: {  	[hbm4b:s29+s3] =	stream.linear.scatter [tilespmem:s30], [sflag:$0x4], $0x80, $0x38;
	[tilespmem:$0x13C00] =	vst v63  }
0x213: {  	s26 =	sadd.s32 $0xB0, s23;
	s28 =	simm.s32 $0x10ED8  }
0x214: {  	[hbm4b:s26+s3] =	stream.linear.scatter [tilespmem:s28], [sflag:$0x4], $0x80, $0x38;
	[tilespmem:$0x13C00] =	vst v63  }
0x215: {  	s29 =	sadd.s32 $0xC0, s23;
	s30 =	simm.s32 $0x10F60  }
0x216: {  	[hbm4b:s29+s3] =	stream.linear.scatter [tilespmem:s30], [sflag:$0x4], $0x80, $0x38;
	[tilespmem:$0x13C00] =	vst v63  }
0x217: {  	s26 =	sadd.s32 $0xD0, s23;
	s28 =	simm.s32 $0x10FE8  }
0x218: {  	[hbm4b:s26+s3] =	stream.linear.scatter [tilespmem:s28], [sflag:$0x4], $0x80, $0x38;
	[tilespmem:$0x13C00] =	vst v63  }
0x219: {  	s29 =	sadd.s32 $0xE0, s23;
	s30 =	simm.s32 $0x11070  }
0x21a: {  	[hbm4b:s29+s3] =	stream.linear.scatter [tilespmem:s30], [sflag:$0x4], $0x80, $0x38;
	[tilespmem:$0x13C00] =	vst v63  }
0x21b: {  	s26 =	sadd.s32 $0xF0, s23;
	s28 =	simm.s32 $0x110F8  }
0x21c: {  	[hbm4b:s26+s3] =	stream.linear.scatter [tilespmem:s28], [sflag:$0x4], $0x80, $0x38;
	[tilespmem:$0x13C00] =	vst v63  }
0x21d: {  	s29 =	sadd.s32 $0x100, s23;
	s30 =	simm.s32 $0x11E40  }
0x21e: {  	[hbm4b:s29+s3] =	stream.linear.scatter [tilespmem:s30], [sflag:$0x4], $0x80, $0x38;
	[tilespmem:$0x13C00] =	vst v63  }
0x21f: {  	s26 =	sadd.s32 $0x110, s23;
	s28 =	simm.s32 $0x11EC8  }
0x220: {  	[hbm4b:s26+s3] =	stream.linear.scatter [tilespmem:s28], [sflag:$0x4], $0x80, $0x38;
	[tilespmem:$0x13C00] =	vst v63  }
0x221: {  	s29 =	sadd.s32 $0x120, s23;
	s30 =	simm.s32 $0x11F50  }
0x222: {  	[hbm4b:s29+s3] =	stream.linear.scatter [tilespmem:s30], [sflag:$0x4], $0x80, $0x38;
	[tilespmem:$0x13C00] =	vst v63  }
0x223: {  	s26 =	sadd.s32 $0x130, s23;
	s28 =	simm.s32 $0x11FD8  }
0x224: {  	[hbm4b:s26+s3] =	stream.linear.scatter [tilespmem:s28], [sflag:$0x4], $0x80, $0x38;
	[tilespmem:$0x13C00] =	vst v63  }
0x225: {  	s29 =	sadd.s32 $0x140, s23;
	s30 =	simm.s32 $0x12060  }
0x226: {  	[hbm4b:s29+s3] =	stream.linear.scatter [tilespmem:s30], [sflag:$0x4], $0x80, $0x38;
	[tilespmem:$0x13C00] =	vst v63  }
0x227: {  	s26 =	sadd.s32 $0x150, s23;
	s28 =	simm.s32 $0x120E8  }
0x228: {  	[hbm4b:s26+s3] =	stream.linear.scatter [tilespmem:s28], [sflag:$0x4], $0x80, $0x38;
	[tilespmem:$0x13C00] =	vst v63  }
0x229: {  	s29 =	sadd.s32 $0x160, s23;
	s30 =	simm.s32 $0x12170  }
0x22a: {  	[hbm4b:s29+s3] =	stream.linear.scatter [tilespmem:s30], [sflag:$0x4], $0x80, $0x38;
	[tilespmem:$0x13C00] =	vst v63  }
0x22b: {  	s26 =	sadd.s32 $0x170, s23;
	s28 =	simm.s32 $0x121F8  }
0x22c: {  	[hbm4b:s26+s3] =	stream.linear.scatter [tilespmem:s28], [sflag:$0x4], $0x80, $0x38;
	[tilespmem:$0x13C00] =	vst v63  }
0x22d: {  	s29 =	sadd.s32 $0x180, s23;
	s30 =	simm.s32 $0x12F40  }
0x22e: {  	[hbm4b:s29+s3] =	stream.linear.scatter [tilespmem:s30], [sflag:$0x4], $0x80, $0x38;
	[tilespmem:$0x13C00] =	vst v63  }
0x22f: {  	s26 =	sadd.s32 $0x190, s23;
	s28 =	simm.s32 $0x12FC8  }
0x230: {  	[hbm4b:s26+s3] =	stream.linear.scatter [tilespmem:s28], [sflag:$0x4], $0x80, $0x38;
	[tilespmem:$0x13C00] =	vst v63  }
0x231: {  	s29 =	sadd.s32 $0x1A0, s23;
	s30 =	simm.s32 $0x13050  }
0x232: {  	[hbm4b:s29+s3] =	stream.linear.scatter [tilespmem:s30], [sflag:$0x4], $0x80, $0x38;
	[tilespmem:$0x13C00] =	vst v63  }
0x233: {  	s26 =	sadd.s32 $0x1B0, s23;
	s28 =	simm.s32 $0x130D8  }
0x234: {  	[hbm4b:s26+s3] =	stream.linear.scatter [tilespmem:s28], [sflag:$0x4], $0x80, $0x38;
	[tilespmem:$0x13C00] =	vst v63  }
0x235: {  	s29 =	sadd.s32 $0x1C0, s23;
	s30 =	simm.s32 $0x13160  }
0x236: {  	[hbm4b:s29+s3] =	stream.linear.scatter [tilespmem:s30], [sflag:$0x4], $0x80, $0x38;
	[tilespmem:$0x13C00] =	vst v63  }
0x237: {  	s25 =	sadd.s32 $0x1D0, s23;
	s26 =	simm.s32 $0x131E8  }
0x238: {  	[hbm4b:s25+s3] =	stream.linear.scatter [tilespmem:s26], [sflag:$0x4], $0x80, $0x38;
	[tilespmem:$0x13C00] =	vst v63  }
0x239: {  	s28 =	sadd.s32 $0x1E0, s23;
	s29 =	simm.s32 $0x13270  }
0x23a: {  	[hbm4b:s28+s3] =	stream.linear.scatter [tilespmem:s29], [sflag:$0x4], $0x80, $0x38;
	[tilespmem:$0x13C00] =	vst v63  }
0x23b: {  	s23 =	sadd.s32 $0x1F0, s23;
	s30 =	simm.s32 $0x132F8  }
0x23c: {  	[hbm4b:s23+s3] =	stream.linear.scatter [tilespmem:s30], [sflag:$0x4], $0x80, $0x38;
	[tilespmem:$0x13C00] =	vst v63  }
0x23d: {  	s25 =	simm.s32 $0x10080;
	s23 =	sadd.s32 s22, s8  }
0x23e: {  	[hbm4b:s23+s3] =	stream.linear.scatter [tilespmem:s25], [sflag:$0x4], $0x80, $0x38;
	[tilespmem:$0x13C00] =	vst v63  }
0x23f: {  	s28 =	simm.s32 $0x10108;
	s26 =	sadd.s32 $0x10, s23  }
0x240: {  	[hbm4b:s26+s3] =	stream.linear.scatter [tilespmem:s28], [sflag:$0x4], $0x80, $0x38;
	[tilespmem:$0x13C00] =	vst v63  }
0x241: {  	s30 =	simm.s32 $0x10190;
	s29 =	sadd.s32 $0x20, s23  }
0x242: {  	[hbm4b:s29+s3] =	stream.linear.scatter [tilespmem:s30], [sflag:$0x4], $0x80, $0x38;
	[tilespmem:$0x13C00] =	vst v63  }
0x243: {  	s26 =	sadd.s32 $0x30, s23;
	s28 =	simm.s32 $0x10218  }
0x244: {  	[hbm4b:s26+s3] =	stream.linear.scatter [tilespmem:s28], [sflag:$0x4], $0x80, $0x38;
	[tilespmem:$0x13C00] =	vst v63  }
0x245: {  	s29 =	sadd.s32 $0x40, s23;
	s30 =	simm.s32 $0x102A0  }
0x246: {  	[hbm4b:s29+s3] =	stream.linear.scatter [tilespmem:s30], [sflag:$0x4], $0x80, $0x38;
	[tilespmem:$0x13C00] =	vst v63  }
0x247: {  	s26 =	sadd.s32 $0x50, s23;
	s28 =	simm.s32 $0x10328  }
0x248: {  	[hbm4b:s26+s3] =	stream.linear.scatter [tilespmem:s28], [sflag:$0x4], $0x80, $0x38;
	[tilespmem:$0x13C00] =	vst v63  }
0x249: {  	s29 =	sadd.s32 $0x60, s23;
	s30 =	simm.s32 $0x103B0  }
0x24a: {  	[hbm4b:s29+s3] =	stream.linear.scatter [tilespmem:s30], [sflag:$0x4], $0x80, $0x38;
	[tilespmem:$0x13C00] =	vst v63  }
0x24b: {  	s26 =	sadd.s32 $0x70, s23;
	s28 =	simm.s32 $0x10438  }
0x24c: {  	[hbm4b:s26+s3] =	stream.linear.scatter [tilespmem:s28], [sflag:$0x4], $0x80, $0x38;
	[tilespmem:$0x13C00] =	vst v63  }
0x24d: {  	s29 =	sadd.s32 $0x80, s23;
	s30 =	simm.s32 $0x11180  }
0x24e: {  	[hbm4b:s29+s3] =	stream.linear.scatter [tilespmem:s30], [sflag:$0x4], $0x80, $0x38;
	[tilespmem:$0x13C00] =	vst v63  }
0x24f: {  	s26 =	sadd.s32 $0x90, s23;
	s28 =	simm.s32 $0x11208  }
0x250: {  	[hbm4b:s26+s3] =	stream.linear.scatter [tilespmem:s28], [sflag:$0x4], $0x80, $0x38;
	[tilespmem:$0x13C00] =	vst v63  }
0x251: {  	s29 =	sadd.s32 $0xA0, s23;
	s30 =	simm.s32 $0x11290  }
0x252: {  	[hbm4b:s29+s3] =	stream.linear.scatter [tilespmem:s30], [sflag:$0x4], $0x80, $0x38;
	[tilespmem:$0x13C00] =	vst v63  }
0x253: {  	s26 =	sadd.s32 $0xB0, s23;
	s28 =	simm.s32 $0x11318  }
0x254: {  	[hbm4b:s26+s3] =	stream.linear.scatter [tilespmem:s28], [sflag:$0x4], $0x80, $0x38;
	[tilespmem:$0x13C00] =	vst v63  }
0x255: {  	s29 =	sadd.s32 $0xC0, s23;
	s30 =	simm.s32 $0x113A0  }
0x256: {  	[hbm4b:s29+s3] =	stream.linear.scatter [tilespmem:s30], [sflag:$0x4], $0x80, $0x38;
	[tilespmem:$0x13C00] =	vst v63  }
0x257: {  	s26 =	sadd.s32 $0xD0, s23;
	s28 =	simm.s32 $0x11428  }
0x258: {  	[hbm4b:s26+s3] =	stream.linear.scatter [tilespmem:s28], [sflag:$0x4], $0x80, $0x38;
	[tilespmem:$0x13C00] =	vst v63  }
0x259: {  	s29 =	sadd.s32 $0xE0, s23;
	s30 =	simm.s32 $0x114B0  }
0x25a: {  	[hbm4b:s29+s3] =	stream.linear.scatter [tilespmem:s30], [sflag:$0x4], $0x80, $0x38;
	[tilespmem:$0x13C00] =	vst v63  }
0x25b: {  	s26 =	sadd.s32 $0xF0, s23;
	s28 =	simm.s32 $0x11538  }
0x25c: {  	[hbm4b:s26+s3] =	stream.linear.scatter [tilespmem:s28], [sflag:$0x4], $0x80, $0x38;
	[tilespmem:$0x13C00] =	vst v63  }
0x25d: {  	s29 =	sadd.s32 $0x100, s23;
	s30 =	simm.s32 $0x12280  }
0x25e: {  	[hbm4b:s29+s3] =	stream.linear.scatter [tilespmem:s30], [sflag:$0x4], $0x80, $0x38;
	[tilespmem:$0x13C00] =	vst v63  }
0x25f: {  	s26 =	sadd.s32 $0x110, s23;
	s28 =	simm.s32 $0x12308  }
0x260: {  	[hbm4b:s26+s3] =	stream.linear.scatter [tilespmem:s28], [sflag:$0x4], $0x80, $0x38;
	[tilespmem:$0x13C00] =	vst v63  }
0x261: {  	s29 =	sadd.s32 $0x120, s23;
	s30 =	simm.s32 $0x12390  }
0x262: {  	[hbm4b:s29+s3] =	stream.linear.scatter [tilespmem:s30], [sflag:$0x4], $0x80, $0x38;
	[tilespmem:$0x13C00] =	vst v63  }
0x263: {  	s26 =	sadd.s32 $0x130, s23;
	s28 =	simm.s32 $0x12418  }
0x264: {  	[hbm4b:s26+s3] =	stream.linear.scatter [tilespmem:s28], [sflag:$0x4], $0x80, $0x38;
	[tilespmem:$0x13C00] =	vst v63  }
0x265: {  	s29 =	sadd.s32 $0x140, s23;
	s30 =	simm.s32 $0x124A0  }
0x266: {  	[hbm4b:s29+s3] =	stream.linear.scatter [tilespmem:s30], [sflag:$0x4], $0x80, $0x38;
	[tilespmem:$0x13C00] =	vst v63  }
0x267: {  	s26 =	sadd.s32 $0x150, s23;
	s28 =	simm.s32 $0x12528  }
0x268: {  	[hbm4b:s26+s3] =	stream.linear.scatter [tilespmem:s28], [sflag:$0x4], $0x80, $0x38;
	[tilespmem:$0x13C00] =	vst v63  }
0x269: {  	s29 =	sadd.s32 $0x160, s23;
	s30 =	simm.s32 $0x125B0  }
0x26a: {  	[hbm4b:s29+s3] =	stream.linear.scatter [tilespmem:s30], [sflag:$0x4], $0x80, $0x38;
	[tilespmem:$0x13C00] =	vst v63  }
0x26b: {  	s26 =	sadd.s32 $0x170, s23;
	s28 =	simm.s32 $0x12638  }
0x26c: {  	[hbm4b:s26+s3] =	stream.linear.scatter [tilespmem:s28], [sflag:$0x4], $0x80, $0x38;
	[tilespmem:$0x13C00] =	vst v63  }
0x26d: {  	s29 =	sadd.s32 $0x180, s23;
	s30 =	simm.s32 $0x13380  }
0x26e: {  	[hbm4b:s29+s3] =	stream.linear.scatter [tilespmem:s30], [sflag:$0x4], $0x80, $0x38;
	[tilespmem:$0x13C00] =	vst v63  }
0x26f: {  	s26 =	sadd.s32 $0x190, s23;
	s28 =	simm.s32 $0x13408  }
0x270: {  	[hbm4b:s26+s3] =	stream.linear.scatter [tilespmem:s28], [sflag:$0x4], $0x80, $0x38;
	[tilespmem:$0x13C00] =	vst v63  }
0x271: {  	s29 =	sadd.s32 $0x1A0, s23;
	s30 =	simm.s32 $0x13490  }
0x272: {  	[hbm4b:s29+s3] =	stream.linear.scatter [tilespmem:s30], [sflag:$0x4], $0x80, $0x38;
	[tilespmem:$0x13C00] =	vst v63  }
0x273: {  	s26 =	sadd.s32 $0x1B0, s23;
	s28 =	simm.s32 $0x13518  }
0x274: {  	[hbm4b:s26+s3] =	stream.linear.scatter [tilespmem:s28], [sflag:$0x4], $0x80, $0x38;
	[tilespmem:$0x13C00] =	vst v63  }
0x275: {  	s29 =	sadd.s32 $0x1C0, s23;
	s30 =	simm.s32 $0x135A0  }
0x276: {  	[hbm4b:s29+s3] =	stream.linear.scatter [tilespmem:s30], [sflag:$0x4], $0x80, $0x38;
	[tilespmem:$0x13C00] =	vst v63  }
0x277: {  	s26 =	sadd.s32 $0x1D0, s23;
	s28 =	simm.s32 $0x13628  }
0x278: {  	[hbm4b:s26+s3] =	stream.linear.scatter [tilespmem:s28], [sflag:$0x4], $0x80, $0x38;
	[tilespmem:$0x13C00] =	vst v63  }
0x279: {  	s29 =	sadd.s32 $0x1E0, s23;
	s30 =	simm.s32 $0x136B0  }
0x27a: {  	[hbm4b:s29+s3] =	stream.linear.scatter [tilespmem:s30], [sflag:$0x4], $0x80, $0x38;
	[tilespmem:$0x13C00] =	vst v63  }
0x27b: {  	s23 =	sadd.s32 $0x1F0, s23;
	s26 =	simm.s32 $0x13738  }
0x27c: {  	[hbm4b:s23+s3] =	stream.linear.scatter [tilespmem:s26], [sflag:$0x4], $0x80, $0x38;
	[tilespmem:$0x13C00] =	vst v63  }
0x27d: {  	s22 =	sadd.s32 s22, s9;
	s28 =	simm.s32 $0x104C0  }
0x27e: {  	[hbm4b:s22+s3] =	stream.linear.scatter [tilespmem:s28], [sflag:$0x4], $0x80, $0x38;
	[tilespmem:$0x13C00] =	vst v63  }
0x27f: {  	s29 =	sadd.s32 $0x10, s22;
	s30 =	simm.s32 $0x10548  }
0x280: {  	[hbm4b:s29+s3] =	stream.linear.scatter [tilespmem:s30], [sflag:$0x4], $0x80, $0x38;
	[tilespmem:$0x13C00] =	vst v63  }
0x281: {  	s24 =	sadd.s32 $0x20, s22;
	s25 =	simm.s32 $0x105D0  }
0x282: {  	[hbm4b:s24+s3] =	stream.linear.scatter [tilespmem:s25], [sflag:$0x4], $0x80, $0x38;
	[tilespmem:$0x13C00] =	vst v63  }
0x283: {  	s26 =	sadd.s32 $0x30, s22;
	s28 =	simm.s32 $0x10658  }
0x284: {  	[hbm4b:s26+s3] =	stream.linear.scatter [tilespmem:s28], [sflag:$0x4], $0x80, $0x38;
	[tilespmem:$0x13C00] =	vst v63  }
0x285: {  	s29 =	sadd.s32 $0x40, s22;
	s30 =	simm.s32 $0x106E0  }
0x286: {  	[hbm4b:s29+s3] =	stream.linear.scatter [tilespmem:s30], [sflag:$0x4], $0x80, $0x38;
	[tilespmem:$0x13C00] =	vst v63  }
0x287: {  	s24 =	sadd.s32 $0x50, s22;
	s25 =	simm.s32 $0x10768  }
0x288: {  	[hbm4b:s24+s3] =	stream.linear.scatter [tilespmem:s25], [sflag:$0x4], $0x80, $0x38;
	[tilespmem:$0x13C00] =	vst v63  }
0x289: {  	s26 =	sadd.s32 $0x60, s22;
	s28 =	simm.s32 $0x107F0  }
0x28a: {  	[hbm4b:s26+s3] =	stream.linear.scatter [tilespmem:s28], [sflag:$0x4], $0x80, $0x38;
	[tilespmem:$0x13C00] =	vst v63  }
0x28b: {  	s29 =	sadd.s32 $0x70, s22;
	s30 =	simm.s32 $0x10878  }
0x28c: {  	[hbm4b:s29+s3] =	stream.linear.scatter [tilespmem:s30], [sflag:$0x4], $0x80, $0x38;
	[tilespmem:$0x13C00] =	vst v63  }
0x28d: {  	s24 =	sadd.s32 $0x80, s22;
	s25 =	simm.s32 $0x115C0  }
0x28e: {  	[hbm4b:s24+s3] =	stream.linear.scatter [tilespmem:s25], [sflag:$0x4], $0x80, $0x38;
	[tilespmem:$0x13C00] =	vst v63  }
0x28f: {  	s26 =	sadd.s32 $0x90, s22;
	s28 =	simm.s32 $0x11648  }
0x290: {  	[hbm4b:s26+s3] =	stream.linear.scatter [tilespmem:s28], [sflag:$0x4], $0x80, $0x38;
	[tilespmem:$0x13C00] =	vst v63  }
0x291: {  	s29 =	sadd.s32 $0xA0, s22;
	s30 =	simm.s32 $0x116D0  }
0x292: {  	[hbm4b:s29+s3] =	stream.linear.scatter [tilespmem:s30], [sflag:$0x4], $0x80, $0x38;
	[tilespmem:$0x13C00] =	vst v63  }
0x293: {  	s24 =	sadd.s32 $0xB0, s22;
	s25 =	simm.s32 $0x11758  }
0x294: {  	[hbm4b:s24+s3] =	stream.linear.scatter [tilespmem:s25], [sflag:$0x4], $0x80, $0x38;
	[tilespmem:$0x13C00] =	vst v63  }
0x295: {  	s26 =	sadd.s32 $0xC0, s22;
	s28 =	simm.s32 $0x117E0  }
0x296: {  	[hbm4b:s26+s3] =	stream.linear.scatter [tilespmem:s28], [sflag:$0x4], $0x80, $0x38;
	[tilespmem:$0x13C00] =	vst v63  }
0x297: {  	s29 =	sadd.s32 $0xD0, s22;
	s30 =	simm.s32 $0x11868  }
0x298: {  	[hbm4b:s29+s3] =	stream.linear.scatter [tilespmem:s30], [sflag:$0x4], $0x80, $0x38;
	[tilespmem:$0x13C00] =	vst v63  }
0x299: {  	s24 =	sadd.s32 $0xE0, s22;
	s25 =	simm.s32 $0x118F0  }
0x29a: {  	[hbm4b:s24+s3] =	stream.linear.scatter [tilespmem:s25], [sflag:$0x4], $0x80, $0x38;
	[tilespmem:$0x13C00] =	vst v63  }
0x29b: {  	s26 =	sadd.s32 $0xF0, s22;
	s28 =	simm.s32 $0x11978  }
0x29c: {  	[hbm4b:s26+s3] =	stream.linear.scatter [tilespmem:s28], [sflag:$0x4], $0x80, $0x38;
	[tilespmem:$0x13C00] =	vst v63  }
0x29d: {  	s29 =	sadd.s32 $0x100, s22;
	s30 =	simm.s32 $0x126C0  }
0x29e: {  	[hbm4b:s29+s3] =	stream.linear.scatter [tilespmem:s30], [sflag:$0x4], $0x80, $0x38;
	[tilespmem:$0x13C00] =	vst v63  }
0x29f: {  	s24 =	sadd.s32 $0x110, s22;
	s25 =	simm.s32 $0x12748  }
0x2a0: {  	[hbm4b:s24+s3] =	stream.linear.scatter [tilespmem:s25], [sflag:$0x4], $0x80, $0x38;
	[tilespmem:$0x13C00] =	vst v63  }
0x2a1: {  	s26 =	sadd.s32 $0x120, s22;
	s28 =	simm.s32 $0x127D0  }
0x2a2: {  	[hbm4b:s26+s3] =	stream.linear.scatter [tilespmem:s28], [sflag:$0x4], $0x80, $0x38;
	[tilespmem:$0x13C00] =	vst v63  }
0x2a3: {  	s29 =	sadd.s32 $0x130, s22;
	s30 =	simm.s32 $0x12858  }
0x2a4: {  	[hbm4b:s29+s3] =	stream.linear.scatter [tilespmem:s30], [sflag:$0x4], $0x80, $0x38;
	[tilespmem:$0x13C00] =	vst v63  }
0x2a5: {  	s24 =	sadd.s32 $0x140, s22;
	s25 =	simm.s32 $0x128E0  }
0x2a6: {  	[hbm4b:s24+s3] =	stream.linear.scatter [tilespmem:s25], [sflag:$0x4], $0x80, $0x38;
	[tilespmem:$0x13C00] =	vst v63  }
0x2a7: {  	s26 =	sadd.s32 $0x150, s22  }
0x2a8: {  	[hbm4b:s26+s3] =	stream.linear.scatter [tilespmem:s31], [sflag:$0x4], $0x80, $0x38;
	[tilespmem:$0x13C00] =	vst v63  }
0x2a9: {  	s28 =	sadd.s32 $0x160, s22  }
0x2aa: {  	[hbm4b:s28+s3] =	stream.linear.scatter [tilespmem:s1], [sflag:$0x4], $0x80, $0x38;
	[tilespmem:$0x13C00] =	vst v63  }
0x2ab: {  	s29 =	sadd.s32 $0x170, s22  }
0x2ac: {  	[hbm4b:s29+s3] =	stream.linear.scatter [tilespmem:s0], [sflag:$0x4], $0x80, $0x38;
	[tilespmem:$0x13C00] =	vst v63  }
0x2ad: {  	s30 =	sadd.s32 $0x180, s22  }
0x2ae: {  	[hbm4b:s30+s3] =	stream.linear.scatter [tilespmem:s13], [sflag:$0x4], $0x80, $0x38;
	[tilespmem:$0x13C00] =	vst v63  }
0x2af: {  	s24 =	sadd.s32 $0x190, s22  }
0x2b0: {  	[hbm4b:s24+s3] =	stream.linear.scatter [tilespmem:s5], [sflag:$0x4], $0x80, $0x38;
	[tilespmem:$0x13C00] =	vst v63  }
0x2b1: {  	s25 =	sadd.s32 $0x1A0, s22  }
0x2b2: {  	[hbm4b:s25+s3] =	stream.linear.scatter [tilespmem:s10], [sflag:$0x4], $0x80, $0x38;
	[tilespmem:$0x13C00] =	vst v63  }
0x2b3: {  	s26 =	sadd.s32 $0x1B0, s22  }
0x2b4: {  	[hbm4b:s26+s3] =	stream.linear.scatter [tilespmem:s11], [sflag:$0x4], $0x80, $0x38;
	[tilespmem:$0x13C00] =	vst v63  }
0x2b5: {  	s21 =	sadd.s32 $0x1, s21;
	s28 =	sadd.s32 $0x1C0, s22  }
0x2b6: {  	[hbm4b:s28+s3] =	stream.linear.scatter [tilespmem:s17], [sflag:$0x4], $0x80, $0x38;
	[tilespmem:$0x13C00] =	vst v63  }
0x2b7: {  	p0 =	sne.s32 s21, $0xD;
	s29 =	sadd.s32 $0x1D0, s22  }
0x2b8: {  	[hbm4b:s29+s3] =	stream.linear.scatter [tilespmem:s18], [sflag:$0x4], $0x80, $0x38;
	[tilespmem:$0x13C00] =	vst v63  }
.Ltmp2:
0x2b9: {  	_ = 	snop;
	(pc) =	sbr.rel @p0 .LBB2_2-.Ltmp2, $4  }
0x2ba: {  	s30 =	sadd.s32 $0x1E0, s22  }
0x2bb: {  	[hbm4b:s30+s3] =	stream.linear.scatter [tilespmem:s19], [sflag:$0x4], $0x80, $0x38;
	[tilespmem:$0x13C00] =	vst v63  }
0x2bc: {  	s22 =	sadd.s32 $0x1F0, s22  }
0x2bd: {  	[hbm4b:s22+s3] =	stream.linear.scatter [tilespmem:s20], [sflag:$0x4], $0x80, $0x38;
	[tilespmem:$0x13C00] =	vst v63  }
0x2be: {  	s21 =	simm.s32 $0x3  }
0x2bf: {  	_ =	swait.ge [sflag:s21], $0x1000  }
0x2c0: {  	[sflag:s21] =	ssyncset.done $0x0  }
0x2c1: {  	[sflag:s21] =	ssyncadd.s32 $0xFFFFF000  }
0x2c2: {  	_ =	swait.ge [sflag:s21], $0x1000  }
0x2c3: {  	[sflag:s21] =	ssyncset.done $0x0  }
0x2c4: {  	[sflag:s21] =	ssyncadd.s32 $0xFFFFF000  }
0x2c5: {  	_ =	swait.ge [sflag:s21], $0x1000  }
0x2c6: {  	[sflag:s21] =	ssyncset.done $0x0  }
0x2c7: {  	[sflag:s21] =	ssyncadd.s32 $0xFFFFF000  }
0x2c8: {  	_ =	swait.ge [sflag:s21], $0x1000  }
0x2c9: {  	[sflag:s21] =	ssyncset.done $0x0  }
0x2ca: {  	s22 =	simm.s32 $0x4;
	[sflag:s21] =	ssyncadd.s32 $0xFFFFF000  }
0x2cb: {  	_ =	swait.ge [sflag:s22], $0x1000  }
0x2cc: {  	[sflag:s22] =	ssyncset.done $0x0  }
0x2cd: {  	[sflag:s22] =	ssyncadd.s32 $0xFFFFF000  }
0x2ce: {  	_ =	swait.ge [sflag:s22], $0x1000  }
0x2cf: {  	[sflag:s22] =	ssyncset.done $0x0  }
0x2d0: {  	[sflag:s22] =	ssyncadd.s32 $0xFFFFF000  }
0x2d1: {  	_ =	swait.ge [sflag:s22], $0x1000  }
0x2d2: {  	[sflag:s22] =	ssyncset.done $0x0  }
0x2d3: {  	[sflag:s22] =	ssyncadd.s32 $0xFFFFF000  }
0x2d4: {  	_ =	swait.ge [sflag:s22], $0x1000  }
0x2d5: {  	s23 =	rddreg [dreg:$0x5]  }
0x2d6: {  	s30 =	rddreg [dreg:$0x4];
	s23 =	sadd.s32 $0x1, s23  }
0x2d7: {  	p0 =	sne.s32 s23, s30  }
.Ltmp3:
0x2d8: {  	_ = 	snop;
	(pc) =	sbr.rel @p0 .LBB2_1-.Ltmp3, $3  }
0x2d9: {  	_ =	sdelay $0x1  }
0x2da: {  	[sflag:s22] =	ssyncset.done $0x0  }
0x2db: {  	[sflag:s22] =	ssyncadd.s32 $0xFFFFF000  }
0x2dc: {  	_ =	sfence.sel $0x180000  }
0x2dd: {  	[bflag:$0x0] =	sbarrier.arrive $0xFFFF  }
0x2de: {  	_ =	strace $0x90000047  }
0x2df: {  	s0 =	stileid.u32;
	[bflag:$0x2] =	sbarrier.arrive $0xFFFF  }
0x2e0: {  	p0 =	sne.s32 s0, $0x0;
	s0 =	rddreg [dreg:$0x2]  }
0x2e1: {  	s0 =	sadd.s32 @!p0 $0x100000, s0  }
0x2e2: {  	[sflag:s0] =	ssyncadd.tile.s32 @!p0 $0x1;
	_ =	shalt  }
.Lfunc_end2:
_tile_overlayer_lowered:
.L_overlay_start_2:
0x2e3: {  	(tag) =	ssettag $0x2  }
0x2e4: {  	s0 =	rddreg [dreg:$0x0];
	s2 =	stileid.u32  }
0x2e5: {  	s1 =	rddreg [dreg:$0x1];
	p0 =	sne.s32 s2, $0x0  }
0x2e6: {  	s3 =	rddreg [dreg:$0x2];
	[bflag:$0x3] =	sbarrier.arrive $0xFFFF;
	s2 =	simm.s32 @!p0 $0x1C05  }
0x2e7: {  	[timem:s3], [sflag:s2] =	dma.local @!p0 [hbm:s0], s1  }
0x2e8: {  	s0 =	simm.s32 @!p0 $0x5  }
0x2e9: {  	_ =	swait.ge @!p0 [sflag:s0], s1  }
0x2ea: {  	s1 =	ssub.s32 @!p0 $0x0, s1;
	[sflag:s0] =	ssyncset.done @!p0 $0x0  }
0x2eb: {  	[sflag:s0] =	ssyncadd.s32 @!p0 s1  }
0x2ec: {  	[bflag:$0x3] =	sbarrier.arrive $0xFFFF  }
0x2ed: {  	_ =	shalt  }

</sc_bundles>
